<compile_context>
chip_gen: v7x
topology: tpu7x:2x2x1
jax: 0.10.2.dev20260603
libtpu: 0.0.44.dev20260713+nightly
codegen_flags: <defaults>
</compile_context>

<pallas_src>
import functools

import jax
import jax.numpy as jnp
from jax import lax
from jax.experimental import pallas as pl
from jax.experimental.pallas import tpu as pltpu
from jax.experimental.pallas import tpu_sc as plsc

QB = 16
NBUF = 2


@functools.cache
def _make_gather(Bq, L, V, D):
    info = plsc.get_sparse_core_info()
    NC, NS = info.num_cores, info.num_subcores
    NW = NC * NS
    assert Bq % (NW * QB) == 0
    q_per_w = Bq // NW
    n_chunks = q_per_w // QB
    mesh = plsc.VectorSubcoreMesh(core_axis_name="c", subcore_axis_name="s")

    @functools.partial(
        pl.kernel,
        mesh=mesh,
        out_type=jax.ShapeDtypeStruct((Bq, L, D), jnp.float32),
        compiler_params=pltpu.CompilerParams(use_tc_tiling_on_sc=False),
        scratch_types=[
            pltpu.VMEM((q_per_w, L), jnp.int32),
            pltpu.VMEM((NBUF, QB, L, D), jnp.float32),
            pltpu.SemaphoreType.DMA((NBUF,)),
        ],
    )
    def k(table_hbm, idx_hbm, out_hbm, idx_v, rows_v, gsem):
        wid = lax.axis_index("s") * NC + lax.axis_index("c")
        q0 = wid * q_per_w
        pltpu.sync_copy(idx_hbm.at[pl.ds(q0, q_per_w)], idx_v)

        def start(i, b):
            for j in range(QB):
                pltpu.async_copy(
                    table_hbm.at[idx_v.at[i * QB + j]],
                    rows_v.at[b].at[j],
                    gsem.at[b],
                )

        def drain(i, b):
            pltpu.make_async_copy(
                out_hbm.at[pl.ds(q0 + i * QB, QB)],
                rows_v.at[b],
                gsem.at[b],
            ).wait()

        def store(i, b):
            pltpu.sync_copy(rows_v.at[b], out_hbm.at[pl.ds(q0 + i * QB, QB)])

        for b in range(NBUF):
            start(b, b)

        def body(i, _):
            b = i % NBUF
            drain(i, b)
            store(i, b)
            start(i + NBUF, b)
            return ()

        lax.fori_loop(0, n_chunks - NBUF, body, ())

        for i in range(n_chunks - NBUF, n_chunks):
            b = i % NBUF
            drain(i, b)
            store(i, b)

    return k


def kernel(indices, table):
    Bq, L = indices.shape
    V, D = table.shape
    return _make_gather(Bq, L, V, D)(table, indices)

# --- scband reference (transcript-rebuilt; emitter-appended) ---
"""Pipeline reference for scband-env-68942815036113 (READ-ONLY COPY).

The authoritative reference and input builder live on the scoring server;
editing this copy changes nothing except your own understanding.
"""

import jax, jax.numpy as jnp
import numpy as np

VOCAB = 1000000
DIM = 64
MIN = 0
BATCH = 16384
HIST = 50


def setup_inputs(seed: int = 0) -> dict:
    key = jax.random.key(seed)
    k1, k2 = jax.random.split(key)
    indices = jax.random.randint(k1, (BATCH, HIST), 0, VOCAB, dtype=jnp.int32)
    table = jax.random.normal(k2, (VOCAB, DIM), dtype=jnp.float32) * 0.02
    return {"indices": indices, "table": table}


def reference(indices, table):
    # Faithful translation of Embedding.forward: self.embed(x - self.min)
    # i.e. an nn.Embedding gather with an index offset.
    shifted = indices - MIN
    out = jnp.take(table, shifted, axis=0)  # [B, L, DIM]
    return out

if __name__ == "__main__":
    import jax
    _d = setup_inputs()
    print(jax.jit(kernel)(*tuple(_d.values())))

</pallas_src>

<mosaic_0001>
#map = affine_map<(d0, d1) -> (0, 0)>
#map1 = affine_map<(d0, d1) -> (0, 0, 0)>
module attributes {stable_mosaic.version = 14 : i64} {
  func.func @k(%arg0: i32, %arg1: i32, %arg2: memref<1000000x64xf32, #tpu.memory_space<hbm>>, %arg3: memref<16384x50xi32, #tpu.memory_space<hbm>>, %arg4: memref<16384x50x64xf32, #tpu.memory_space<hbm>>, %arg5: memref<512x50xi32, #tpu.memory_space<vmem>>, %arg6: memref<2x16x50x64xf32, #tpu.memory_space<vmem>>, %arg7: memref<2x!tpu.dma_semaphore, #tpu.memory_space<semaphore_mem>>) attributes {dimension_semantics = [#tpu.dimension_semantics<core_parallel>, #tpu.dimension_semantics<subcore_parallel>], iteration_bounds = array<i64: 2, 16>, scalar_prefetch = 0 : i64, scratch_operands = 3 : i64, tpu.core_type = #tpu.core_type<sc_vector_subcore>, window_params = [{transform_indices = #map}, {transform_indices = #map}, {transform_indices = #map1}]} {
    %mul3A = arith.constant 2 : i32
    %mul3A_0 = arith.muli %arg1, %mul3A : i32
    %add3A = arith.addi %mul3A_0, %arg0 : i32
    %mul3A_1 = arith.constant 512 : i32
    %mul3A_2 = arith.muli %add3A, %mul3A_1 : i32
    "tpu.region"() ({
      %run_scoped3A_726 = tpu.sem_alloc : memref<!tpu.dma_semaphore, #tpu.memory_space<semaphore_mem>>
      %dma_start3A_727 = arith.constant 0 : i32
      %dma_start3A_728 = tpu.memref_slice %arg3[%mul3A_2, %dma_start3A_727] : memref<16384x50xi32, #tpu.memory_space<hbm>> -> memref<512x50xi32, #tpu.memory_space<hbm>>
      %dma_start3A_729 = arith.constant 0 : i32
      %dma_start3A_730 = tpu.memref_slice %arg3[%mul3A_2, %dma_start3A_729] : memref<16384x50xi32, #tpu.memory_space<hbm>> -> memref<512x50xi32, #tpu.memory_space<hbm>>
      tpu.enqueue_dma source(%dma_start3A_730 : memref<512x50xi32, #tpu.memory_space<hbm>>) target(%arg5 : memref<512x50xi32, #tpu.memory_space<vmem>>) target_semaphore(%run_scoped3A_726 : memref<!tpu.dma_semaphore, #tpu.memory_space<semaphore_mem>>)
      %dma_wait3A_731 = arith.constant 0 : i32
      %dma_wait3A_732 = tpu.memref_slice %arg3[%mul3A_2, %dma_wait3A_731] : memref<16384x50xi32, #tpu.memory_space<hbm>> -> memref<512x50xi32, #tpu.memory_space<hbm>>
      %dma_wait3A_733 = arith.constant 0 : i32
      %dma_wait3A_734 = tpu.memref_slice %arg3[%mul3A_2, %dma_wait3A_733] : memref<16384x50xi32, #tpu.memory_space<hbm>> -> memref<512x50xi32, #tpu.memory_space<hbm>>
      tpu.wait_dma2 semaphore(%run_scoped3A_726 : memref<!tpu.dma_semaphore, #tpu.memory_space<semaphore_mem>>) src(%dma_wait3A_734 : memref<512x50xi32, #tpu.memory_space<hbm>>) dst(%arg5 : memref<512x50xi32, #tpu.memory_space<vmem>>)
      tpu.yield
    }) : () -> ()
    %dma_start3A = arith.constant 0 : i32
    %dma_start3A_3 = arith.constant 0 : i32
    %dma_start3A_4 = arith.constant 0 : i32
    %dma_start3A_5 = arith.constant 0 : i32
    %dma_start3A_6 = arith.constant 0 : i32
    %dma_start3A_7 = arith.constant 0 : i32
    %dma_start3A_8 = arith.constant 0 : i32
    %dma_start3A_9 = tpu.memref_slice %arg6[%dma_start3A_3, %dma_start3A_6, %dma_start3A_7, %dma_start3A_8] : memref<2x16x50x64xf32, #tpu.memory_space<vmem>> -> memref<1x16x50x64xf32, #tpu.memory_space<vmem>>
    %dma_start3A_10 = tpu.memref_squeeze %dma_start3A_9 : memref<1x16x50x64xf32, #tpu.memory_space<vmem>> -> memref<16x50x64xf32, #tpu.memory_space<vmem>>
    %dma_start3A_11 = arith.constant 0 : i32
    %dma_start3A_12 = arith.constant 0 : i32
    %dma_start3A_13 = tpu.memref_slice %dma_start3A_10[%dma_start3A_4, %dma_start3A_11, %dma_start3A_12] : memref<16x50x64xf32, #tpu.memory_space<vmem>> -> memref<1x50x64xf32, #tpu.memory_space<vmem>>
    %dma_start3A_14 = tpu.memref_squeeze %dma_start3A_13 : memref<1x50x64xf32, #tpu.memory_space<vmem>> -> memref<50x64xf32, #tpu.memory_space<vmem>>
    %dma_start3A_15 = arith.constant 0 : i32
    %dma_start3A_16 = tpu.memref_slice %arg5[%dma_start3A, %dma_start3A_15] : memref<512x50xi32, #tpu.memory_space<vmem>> -> memref<1x50xi32, #tpu.memory_space<vmem>>
    %dma_start3A_17 = tpu.memref_squeeze %dma_start3A_16 : memref<1x50xi32, #tpu.memory_space<vmem>> -> memref<50xi32, #tpu.memory_space<vmem>>
    %dma_start3A_18 = arith.constant 0 : i32
    %dma_start3A_19 = arith.constant 0 : i32
    %dma_start3A_20 = tpu.memref_slice %arg2[%dma_start3A_18, %dma_start3A_19] : memref<1000000x64xf32, #tpu.memory_space<hbm>> -> memref<1000000x64xf32, #tpu.memory_space<hbm>>
    %dma_start3A_21 = tpu.memref_slice %arg7[%dma_start3A_5] : memref<2x!tpu.dma_semaphore, #tpu.memory_space<semaphore_mem>> -> memref<1x!tpu.dma_semaphore, #tpu.memory_space<semaphore_mem>>
    %dma_start3A_22 = tpu.memref_squeeze %dma_start3A_21 : memref<1x!tpu.dma_semaphore, #tpu.memory_space<semaphore_mem>> -> memref<!tpu.dma_semaphore, #tpu.memory_space<semaphore_mem>>
    tpu.enqueue_indirect_dma source(%dma_start3A_20 : memref<1000000x64xf32, #tpu.memory_space<hbm>>) target(%dma_start3A_14 : memref<50x64xf32, #tpu.memory_space<vmem>>) offsets(%dma_start3A_17 : memref<50xi32, #tpu.memory_space<vmem>>) semaphore(%dma_start3A_22 : memref<!tpu.dma_semaphore, #tpu.memory_space<semaphore_mem>>)
    %dma_start3A_23 = arith.constant 1 : i32
    %dma_start3A_24 = arith.constant 0 : i32
    %dma_start3A_25 = arith.constant 1 : i32
    %dma_start3A_26 = arith.constant 0 : i32
    %dma_start3A_27 = arith.constant 0 : i32
    %dma_start3A_28 = arith.constant 0 : i32
    %dma_start3A_29 = arith.constant 0 : i32
    %dma_start3A_30 = tpu.memref_slice %arg6[%dma_start3A_24, %dma_start3A_27, %dma_start3A_28, %dma_start3A_29] : memref<2x16x50x64xf32, #tpu.memory_space<vmem>> -> memref<1x16x50x64xf32, #tpu.memory_space<vmem>>
    %dma_start3A_31 = tpu.memref_squeeze %dma_start3A_30 : memref<1x16x50x64xf32, #tpu.memory_space<vmem>> -> memref<16x50x64xf32, #tpu.memory_space<vmem>>
    %dma_start3A_32 = arith.constant 0 : i32
    %dma_start3A_33 = arith.constant 0 : i32
    %dma_start3A_34 = tpu.memref_slice %dma_start3A_31[%dma_start3A_25, %dma_start3A_32, %dma_start3A_33] : memref<16x50x64xf32, #tpu.memory_space<vmem>> -> memref<1x50x64xf32, #tpu.memory_space<vmem>>
    %dma_start3A_35 = tpu.memref_squeeze %dma_start3A_34 : memref<1x50x64xf32, #tpu.memory_space<vmem>> -> memref<50x64xf32, #tpu.memory_space<vmem>>
    %dma_start3A_36 = arith.constant 0 : i32
    %dma_start3A_37 = tpu.memref_slice %arg5[%dma_start3A_23, %dma_start3A_36] : memref<512x50xi32, #tpu.memory_space<vmem>> -> memref<1x50xi32, #tpu.memory_space<vmem>>
    %dma_start3A_38 = tpu.memref_squeeze %dma_start3A_37 : memref<1x50xi32, #tpu.memory_space<vmem>> -> memref<50xi32, #tpu.memory_space<vmem>>
    %dma_start3A_39 = arith.constant 0 : i32
    %dma_start3A_40 = arith.constant 0 : i32
    %dma_start3A_41 = tpu.memref_slice %arg2[%dma_start3A_39, %dma_start3A_40] : memref<1000000x64xf32, #tpu.memory_space<hbm>> -> memref<1000000x64xf32, #tpu.memory_space<hbm>>
    %dma_start3A_42 = tpu.memref_slice %arg7[%dma_start3A_26] : memref<2x!tpu.dma_semaphore, #tpu.memory_space<semaphore_mem>> -> memref<1x!tpu.dma_semaphore, #tpu.memory_space<semaphore_mem>>
    %dma_start3A_43 = tpu.memref_squeeze %dma_start3A_42 : memref<1x!tpu.dma_semaphore, #tpu.memory_space<semaphore_mem>> -> memref<!tpu.dma_semaphore, #tpu.memory_space<semaphore_mem>>
    tpu.enqueue_indirect_dma source(%dma_start3A_41 : memref<1000000x64xf32, #tpu.memory_space<hbm>>) target(%dma_start3A_35 : memref<50x64xf32, #tpu.memory_space<vmem>>) offsets(%dma_start3A_38 : memref<50xi32, #tpu.memory_space<vmem>>) semaphore(%dma_start3A_43 : memref<!tpu.dma_semaphore, #tpu.memory_space<semaphore_mem>>)
    %dma_start3A_44 = arith.constant 2 : i32
    %dma_start3A_45 = arith.constant 0 : i32
    %dma_start3A_46 = arith.constant 2 : i32
    %dma_start3A_47 = arith.constant 0 : i32
    %dma_start3A_48 = arith.constant 0 : i32
    %dma_start3A_49 = arith.constant 0 : i32
    %dma_start3A_50 = arith.constant 0 : i32
    %dma_start3A_51 = tpu.memref_slice %arg6[%dma_start3A_45, %dma_start3A_48, %dma_start3A_49, %dma_start3A_50] : memref<2x16x50x64xf32, #tpu.memory_space<vmem>> -> memref<1x16x50x64xf32, #tpu.memory_space<vmem>>
    %dma_start3A_52 = tpu.memref_squeeze %dma_start3A_51 : memref<1x16x50x64xf32, #tpu.memory_space<vmem>> -> memref<16x50x64xf32, #tpu.memory_space<vmem>>
    %dma_start3A_53 = arith.constant 0 : i32
    %dma_start3A_54 = arith.constant 0 : i32
    %dma_start3A_55 = tpu.memref_slice %dma_start3A_52[%dma_start3A_46, %dma_start3A_53, %dma_start3A_54] : memref<16x50x64xf32, #tpu.memory_space<vmem>> -> memref<1x50x64xf32, #tpu.memory_space<vmem>>
    %dma_start3A_56 = tpu.memref_squeeze %dma_start3A_55 : memref<1x50x64xf32, #tpu.memory_space<vmem>> -> memref<50x64xf32, #tpu.memory_space<vmem>>
    %dma_start3A_57 = arith.constant 0 : i32
    %dma_start3A_58 = tpu.memref_slice %arg5[%dma_start3A_44, %dma_start3A_57] : memref<512x50xi32, #tpu.memory_space<vmem>> -> memref<1x50xi32, #tpu.memory_space<vmem>>
    %dma_start3A_59 = tpu.memref_squeeze %dma_start3A_58 : memref<1x50xi32, #tpu.memory_space<vmem>> -> memref<50xi32, #tpu.memory_space<vmem>>
    %dma_start3A_60 = arith.constant 0 : i32
    %dma_start3A_61 = arith.constant 0 : i32
    %dma_start3A_62 = tpu.memref_slice %arg2[%dma_start3A_60, %dma_start3A_61] : memref<1000000x64xf32, #tpu.memory_space<hbm>> -> memref<1000000x64xf32, #tpu.memory_space<hbm>>
    %dma_start3A_63 = tpu.memref_slice %arg7[%dma_start3A_47] : memref<2x!tpu.dma_semaphore, #tpu.memory_space<semaphore_mem>> -> memref<1x!tpu.dma_semaphore, #tpu.memory_space<semaphore_mem>>
    %dma_start3A_64 = tpu.memref_squeeze %dma_start3A_63 : memref<1x!tpu.dma_semaphore, #tpu.memory_space<semaphore_mem>> -> memref<!tpu.dma_semaphore, #tpu.memory_space<semaphore_mem>>
    tpu.enqueue_indirect_dma source(%dma_start3A_62 : memref<1000000x64xf32, #tpu.memory_space<hbm>>) target(%dma_start3A_56 : memref<50x64xf32, #tpu.memory_space<vmem>>) offsets(%dma_start3A_59 : memref<50xi32, #tpu.memory_space<vmem>>) semaphore(%dma_start3A_64 : memref<!tpu.dma_semaphore, #tpu.memory_space<semaphore_mem>>)
    %dma_start3A_65 = arith.constant 3 : i32
    %dma_start3A_66 = arith.constant 0 : i32
    %dma_start3A_67 = arith.constant 3 : i32
    %dma_start3A_68 = arith.constant 0 : i32
    %dma_start3A_69 = arith.constant 0 : i32
    %dma_start3A_70 = arith.constant 0 : i32
    %dma_start3A_71 = arith.constant 0 : i32
    %dma_start3A_72 = tpu.memref_slice %arg6[%dma_start3A_66, %dma_start3A_69, %dma_start3A_70, %dma_start3A_71] : memref<2x16x50x64xf32, #tpu.memory_space<vmem>> -> memref<1x16x50x64xf32, #tpu.memory_space<vmem>>
    %dma_start3A_73 = tpu.memref_squeeze %dma_start3A_72 : memref<1x16x50x64xf32, #tpu.memory_space<vmem>> -> memref<16x50x64xf32, #tpu.memory_space<vmem>>
    %dma_start3A_74 = arith.constant 0 : i32
    %dma_start3A_75 = arith.constant 0 : i32
    %dma_start3A_76 = tpu.memref_slice %dma_start3A_73[%dma_start3A_67, %dma_start3A_74, %dma_start3A_75] : memref<16x50x64xf32, #tpu.memory_space<vmem>> -> memref<1x50x64xf32, #tpu.memory_space<vmem>>
    %dma_start3A_77 = tpu.memref_squeeze %dma_start3A_76 : memref<1x50x64xf32, #tpu.memory_space<vmem>> -> memref<50x64xf32, #tpu.memory_space<vmem>>
    %dma_start3A_78 = arith.constant 0 : i32
    %dma_start3A_79 = tpu.memref_slice %arg5[%dma_start3A_65, %dma_start3A_78] : memref<512x50xi32, #tpu.memory_space<vmem>> -> memref<1x50xi32, #tpu.memory_space<vmem>>
    %dma_start3A_80 = tpu.memref_squeeze %dma_start3A_79 : memref<1x50xi32, #tpu.memory_space<vmem>> -> memref<50xi32, #tpu.memory_space<vmem>>
    %dma_start3A_81 = arith.constant 0 : i32
    %dma_start3A_82 = arith.constant 0 : i32
    %dma_start3A_83 = tpu.memref_slice %arg2[%dma_start3A_81, %dma_start3A_82] : memref<1000000x64xf32, #tpu.memory_space<hbm>> -> memref<1000000x64xf32, #tpu.memory_space<hbm>>
    %dma_start3A_84 = tpu.memref_slice %arg7[%dma_start3A_68] : memref<2x!tpu.dma_semaphore, #tpu.memory_space<semaphore_mem>> -> memref<1x!tpu.dma_semaphore, #tpu.memory_space<semaphore_mem>>
    %dma_start3A_85 = tpu.memref_squeeze %dma_start3A_84 : memref<1x!tpu.dma_semaphore, #tpu.memory_space<semaphore_mem>> -> memref<!tpu.dma_semaphore, #tpu.memory_space<semaphore_mem>>
    tpu.enqueue_indirect_dma source(%dma_start3A_83 : memref<1000000x64xf32, #tpu.memory_space<hbm>>) target(%dma_start3A_77 : memref<50x64xf32, #tpu.memory_space<vmem>>) offsets(%dma_start3A_80 : memref<50xi32, #tpu.memory_space<vmem>>) semaphore(%dma_start3A_85 : memref<!tpu.dma_semaphore, #tpu.memory_space<semaphore_mem>>)
    %dma_start3A_86 = arith.constant 4 : i32
    %dma_start3A_87 = arith.constant 0 : i32
    %dma_start3A_88 = arith.constant 4 : i32
    %dma_start3A_89 = arith.constant 0 : i32
    %dma_start3A_90 = arith.constant 0 : i32
    %dma_start3A_91 = arith.constant 0 : i32
    %dma_start3A_92 = arith.constant 0 : i32
    %dma_start3A_93 = tpu.memref_slice %arg6[%dma_start3A_87, %dma_start3A_90, %dma_start3A_91, %dma_start3A_92] : memref<2x16x50x64xf32, #tpu.memory_space<vmem>> -> memref<1x16x50x64xf32, #tpu.memory_space<vmem>>
    %dma_start3A_94 = tpu.memref_squeeze %dma_start3A_93 : memref<1x16x50x64xf32, #tpu.memory_space<vmem>> -> memref<16x50x64xf32, #tpu.memory_space<vmem>>
    %dma_start3A_95 = arith.constant 0 : i32
    %dma_start3A_96 = arith.constant 0 : i32
    %dma_start3A_97 = tpu.memref_slice %dma_start3A_94[%dma_start3A_88, %dma_start3A_95, %dma_start3A_96] : memref<16x50x64xf32, #tpu.memory_space<vmem>> -> memref<1x50x64xf32, #tpu.memory_space<vmem>>
    %dma_start3A_98 = tpu.memref_squeeze %dma_start3A_97 : memref<1x50x64xf32, #tpu.memory_space<vmem>> -> memref<50x64xf32, #tpu.memory_space<vmem>>
    %dma_start3A_99 = arith.constant 0 : i32
    %dma_start3A_100 = tpu.memref_slice %arg5[%dma_start3A_86, %dma_start3A_99] : memref<512x50xi32, #tpu.memory_space<vmem>> -> memref<1x50xi32, #tpu.memory_space<vmem>>
    %dma_start3A_101 = tpu.memref_squeeze %dma_start3A_100 : memref<1x50xi32, #tpu.memory_space<vmem>> -> memref<50xi32, #tpu.memory_space<vmem>>
    %dma_start3A_102 = arith.constant 0 : i32
    %dma_start3A_103 = arith.constant 0 : i32
    %dma_start3A_104 = tpu.memref_slice %arg2[%dma_start3A_102, %dma_start3A_103] : memref<1000000x64xf32, #tpu.memory_space<hbm>> -> memref<1000000x64xf32, #tpu.memory_space<hbm>>
    %dma_start3A_105 = tpu.memref_slice %arg7[%dma_start3A_89] : memref<2x!tpu.dma_semaphore, #tpu.memory_space<semaphore_mem>> -> memref<1x!tpu.dma_semaphore, #tpu.memory_space<semaphore_mem>>
    %dma_start3A_106 = tpu.memref_squeeze %dma_start3A_105 : memref<1x!tpu.dma_semaphore, #tpu.memory_space<semaphore_mem>> -> memref<!tpu.dma_semaphore, #tpu.memory_space<semaphore_mem>>
    tpu.enqueue_indirect_dma source(%dma_start3A_104 : memref<1000000x64xf32, #tpu.memory_space<hbm>>) target(%dma_start3A_98 : memref<50x64xf32, #tpu.memory_space<vmem>>) offsets(%dma_start3A_101 : memref<50xi32, #tpu.memory_space<vmem>>) semaphore(%dma_start3A_106 : memref<!tpu.dma_semaphore, #tpu.memory_space<semaphore_mem>>)
    %dma_start3A_107 = arith.constant 5 : i32
    %dma_start3A_108 = arith.constant 0 : i32
    %dma_start3A_109 = arith.constant 5 : i32
    %dma_start3A_110 = arith.constant 0 : i32
    %dma_start3A_111 = arith.constant 0 : i32
    %dma_start3A_112 = arith.constant 0 : i32
    %dma_start3A_113 = arith.constant 0 : i32
    %dma_start3A_114 = tpu.memref_slice %arg6[%dma_start3A_108, %dma_start3A_111, %dma_start3A_112, %dma_start3A_113] : memref<2x16x50x64xf32, #tpu.memory_space<vmem>> -> memref<1x16x50x64xf32, #tpu.memory_space<vmem>>
    %dma_start3A_115 = tpu.memref_squeeze %dma_start3A_114 : memref<1x16x50x64xf32, #tpu.memory_space<vmem>> -> memref<16x50x64xf32, #tpu.memory_space<vmem>>
    %dma_start3A_116 = arith.constant 0 : i32
    %dma_start3A_117 = arith.constant 0 : i32
    %dma_start3A_118 = tpu.memref_slice %dma_start3A_115[%dma_start3A_109, %dma_start3A_116, %dma_start3A_117] : memref<16x50x64xf32, #tpu.memory_space<vmem>> -> memref<1x50x64xf32, #tpu.memory_space<vmem>>
    %dma_start3A_119 = tpu.memref_squeeze %dma_start3A_118 : memref<1x50x64xf32, #tpu.memory_space<vmem>> -> memref<50x64xf32, #tpu.memory_space<vmem>>
    %dma_start3A_120 = arith.constant 0 : i32
    %dma_start3A_121 = tpu.memref_slice %arg5[%dma_start3A_107, %dma_start3A_120] : memref<512x50xi32, #tpu.memory_space<vmem>> -> memref<1x50xi32, #tpu.memory_space<vmem>>
    %dma_start3A_122 = tpu.memref_squeeze %dma_start3A_121 : memref<1x50xi32, #tpu.memory_space<vmem>> -> memref<50xi32, #tpu.memory_space<vmem>>
    %dma_start3A_123 = arith.constant 0 : i32
    %dma_start3A_124 = arith.constant 0 : i32
    %dma_start3A_125 = tpu.memref_slice %arg2[%dma_start3A_123, %dma_start3A_124] : memref<1000000x64xf32, #tpu.memory_space<hbm>> -> memref<1000000x64xf32, #tpu.memory_space<hbm>>
    %dma_start3A_126 = tpu.memref_slice %arg7[%dma_start3A_110] : memref<2x!tpu.dma_semaphore, #tpu.memory_space<semaphore_mem>> -> memref<1x!tpu.dma_semaphore, #tpu.memory_space<semaphore_mem>>
    %dma_start3A_127 = tpu.memref_squeeze %dma_start3A_126 : memref<1x!tpu.dma_semaphore, #tpu.memory_space<semaphore_mem>> -> memref<!tpu.dma_semaphore, #tpu.memory_space<semaphore_mem>>
    tpu.enqueue_indirect_dma source(%dma_start3A_125 : memref<1000000x64xf32, #tpu.memory_space<hbm>>) target(%dma_start3A_119 : memref<50x64xf32, #tpu.memory_space<vmem>>) offsets(%dma_start3A_122 : memref<50xi32, #tpu.memory_space<vmem>>) semaphore(%dma_start3A_127 : memref<!tpu.dma_semaphore, #tpu.memory_space<semaphore_mem>>)
    %dma_start3A_128 = arith.constant 6 : i32
    %dma_start3A_129 = arith.constant 0 : i32
    %dma_start3A_130 = arith.constant 6 : i32
    %dma_start3A_131 = arith.constant 0 : i32
    %dma_start3A_132 = arith.constant 0 : i32
    %dma_start3A_133 = arith.constant 0 : i32
    %dma_start3A_134 = arith.constant 0 : i32
    %dma_start3A_135 = tpu.memref_slice %arg6[%dma_start3A_129, %dma_start3A_132, %dma_start3A_133, %dma_start3A_134] : memref<2x16x50x64xf32, #tpu.memory_space<vmem>> -> memref<1x16x50x64xf32, #tpu.memory_space<vmem>>
    %dma_start3A_136 = tpu.memref_squeeze %dma_start3A_135 : memref<1x16x50x64xf32, #tpu.memory_space<vmem>> -> memref<16x50x64xf32, #tpu.memory_space<vmem>>
    %dma_start3A_137 = arith.constant 0 : i32
    %dma_start3A_138 = arith.constant 0 : i32
    %dma_start3A_139 = tpu.memref_slice %dma_start3A_136[%dma_start3A_130, %dma_start3A_137, %dma_start3A_138] : memref<16x50x64xf32, #tpu.memory_space<vmem>> -> memref<1x50x64xf32, #tpu.memory_space<vmem>>
    %dma_start3A_140 = tpu.memref_squeeze %dma_start3A_139 : memref<1x50x64xf32, #tpu.memory_space<vmem>> -> memref<50x64xf32, #tpu.memory_space<vmem>>
    %dma_start3A_141 = arith.constant 0 : i32
    %dma_start3A_142 = tpu.memref_slice %arg5[%dma_start3A_128, %dma_start3A_141] : memref<512x50xi32, #tpu.memory_space<vmem>> -> memref<1x50xi32, #tpu.memory_space<vmem>>
    %dma_start3A_143 = tpu.memref_squeeze %dma_start3A_142 : memref<1x50xi32, #tpu.memory_space<vmem>> -> memref<50xi32, #tpu.memory_space<vmem>>
    %dma_start3A_144 = arith.constant 0 : i32
    %dma_start3A_145 = arith.constant 0 : i32
    %dma_start3A_146 = tpu.memref_slice %arg2[%dma_start3A_144, %dma_start3A_145] : memref<1000000x64xf32, #tpu.memory_space<hbm>> -> memref<1000000x64xf32, #tpu.memory_space<hbm>>
    %dma_start3A_147 = tpu.memref_slice %arg7[%dma_start3A_131] : memref<2x!tpu.dma_semaphore, #tpu.memory_space<semaphore_mem>> -> memref<1x!tpu.dma_semaphore, #tpu.memory_space<semaphore_mem>>
    %dma_start3A_148 = tpu.memref_squeeze %dma_start3A_147 : memref<1x!tpu.dma_semaphore, #tpu.memory_space<semaphore_mem>> -> memref<!tpu.dma_semaphore, #tpu.memory_space<semaphore_mem>>
    tpu.enqueue_indirect_dma source(%dma_start3A_146 : memref<1000000x64xf32, #tpu.memory_space<hbm>>) target(%dma_start3A_140 : memref<50x64xf32, #tpu.memory_space<vmem>>) offsets(%dma_start3A_143 : memref<50xi32, #tpu.memory_space<vmem>>) semaphore(%dma_start3A_148 : memref<!tpu.dma_semaphore, #tpu.memory_space<semaphore_mem>>)
    %dma_start3A_149 = arith.constant 7 : i32
    %dma_start3A_150 = arith.constant 0 : i32
    %dma_start3A_151 = arith.constant 7 : i32
    %dma_start3A_152 = arith.constant 0 : i32
    %dma_start3A_153 = arith.constant 0 : i32
    %dma_start3A_154 = arith.constant 0 : i32
    %dma_start3A_155 = arith.constant 0 : i32
    %dma_start3A_156 = tpu.memref_slice %arg6[%dma_start3A_150, %dma_start3A_153, %dma_start3A_154, %dma_start3A_155] : memref<2x16x50x64xf32, #tpu.memory_space<vmem>> -> memref<1x16x50x64xf32, #tpu.memory_space<vmem>>
    %dma_start3A_157 = tpu.memref_squeeze %dma_start3A_156 : memref<1x16x50x64xf32, #tpu.memory_space<vmem>> -> memref<16x50x64xf32, #tpu.memory_space<vmem>>
    %dma_start3A_158 = arith.constant 0 : i32
    %dma_start3A_159 = arith.constant 0 : i32
    %dma_start3A_160 = tpu.memref_slice %dma_start3A_157[%dma_start3A_151, %dma_start3A_158, %dma_start3A_159] : memref<16x50x64xf32, #tpu.memory_space<vmem>> -> memref<1x50x64xf32, #tpu.memory_space<vmem>>
    %dma_start3A_161 = tpu.memref_squeeze %dma_start3A_160 : memref<1x50x64xf32, #tpu.memory_space<vmem>> -> memref<50x64xf32, #tpu.memory_space<vmem>>
    %dma_start3A_162 = arith.constant 0 : i32
    %dma_start3A_163 = tpu.memref_slice %arg5[%dma_start3A_149, %dma_start3A_162] : memref<512x50xi32, #tpu.memory_space<vmem>> -> memref<1x50xi32, #tpu.memory_space<vmem>>
    %dma_start3A_164 = tpu.memref_squeeze %dma_start3A_163 : memref<1x50xi32, #tpu.memory_space<vmem>> -> memref<50xi32, #tpu.memory_space<vmem>>
    %dma_start3A_165 = arith.constant 0 : i32
    %dma_start3A_166 = arith.constant 0 : i32
    %dma_start3A_167 = tpu.memref_slice %arg2[%dma_start3A_165, %dma_start3A_166] : memref<1000000x64xf32, #tpu.memory_space<hbm>> -> memref<1000000x64xf32, #tpu.memory_space<hbm>>
    %dma_start3A_168 = tpu.memref_slice %arg7[%dma_start3A_152] : memref<2x!tpu.dma_semaphore, #tpu.memory_space<semaphore_mem>> -> memref<1x!tpu.dma_semaphore, #tpu.memory_space<semaphore_mem>>
    %dma_start3A_169 = tpu.memref_squeeze %dma_start3A_168 : memref<1x!tpu.dma_semaphore, #tpu.memory_space<semaphore_mem>> -> memref<!tpu.dma_semaphore, #tpu.memory_space<semaphore_mem>>
    tpu.enqueue_indirect_dma source(%dma_start3A_167 : memref<1000000x64xf32, #tpu.memory_space<hbm>>) target(%dma_start3A_161 : memref<50x64xf32, #tpu.memory_space<vmem>>) offsets(%dma_start3A_164 : memref<50xi32, #tpu.memory_space<vmem>>) semaphore(%dma_start3A_169 : memref<!tpu.dma_semaphore, #tpu.memory_space<semaphore_mem>>)
    %dma_start3A_170 = arith.constant 8 : i32
    %dma_start3A_171 = arith.constant 0 : i32
    %dma_start3A_172 = arith.constant 8 : i32
    %dma_start3A_173 = arith.constant 0 : i32
    %dma_start3A_174 = arith.constant 0 : i32
    %dma_start3A_175 = arith.constant 0 : i32
    %dma_start3A_176 = arith.constant 0 : i32
    %dma_start3A_177 = tpu.memref_slice %arg6[%dma_start3A_171, %dma_start3A_174, %dma_start3A_175, %dma_start3A_176] : memref<2x16x50x64xf32, #tpu.memory_space<vmem>> -> memref<1x16x50x64xf32, #tpu.memory_space<vmem>>
    %dma_start3A_178 = tpu.memref_squeeze %dma_start3A_177 : memref<1x16x50x64xf32, #tpu.memory_space<vmem>> -> memref<16x50x64xf32, #tpu.memory_space<vmem>>
    %dma_start3A_179 = arith.constant 0 : i32
    %dma_start3A_180 = arith.constant 0 : i32
    %dma_start3A_181 = tpu.memref_slice %dma_start3A_178[%dma_start3A_172, %dma_start3A_179, %dma_start3A_180] : memref<16x50x64xf32, #tpu.memory_space<vmem>> -> memref<1x50x64xf32, #tpu.memory_space<vmem>>
    %dma_start3A_182 = tpu.memref_squeeze %dma_start3A_181 : memref<1x50x64xf32, #tpu.memory_space<vmem>> -> memref<50x64xf32, #tpu.memory_space<vmem>>
    %dma_start3A_183 = arith.constant 0 : i32
    %dma_start3A_184 = tpu.memref_slice %arg5[%dma_start3A_170, %dma_start3A_183] : memref<512x50xi32, #tpu.memory_space<vmem>> -> memref<1x50xi32, #tpu.memory_space<vmem>>
    %dma_start3A_185 = tpu.memref_squeeze %dma_start3A_184 : memref<1x50xi32, #tpu.memory_space<vmem>> -> memref<50xi32, #tpu.memory_space<vmem>>
    %dma_start3A_186 = arith.constant 0 : i32
    %dma_start3A_187 = arith.constant 0 : i32
    %dma_start3A_188 = tpu.memref_slice %arg2[%dma_start3A_186, %dma_start3A_187] : memref<1000000x64xf32, #tpu.memory_space<hbm>> -> memref<1000000x64xf32, #tpu.memory_space<hbm>>
    %dma_start3A_189 = tpu.memref_slice %arg7[%dma_start3A_173] : memref<2x!tpu.dma_semaphore, #tpu.memory_space<semaphore_mem>> -> memref<1x!tpu.dma_semaphore, #tpu.memory_space<semaphore_mem>>
    %dma_start3A_190 = tpu.memref_squeeze %dma_start3A_189 : memref<1x!tpu.dma_semaphore, #tpu.memory_space<semaphore_mem>> -> memref<!tpu.dma_semaphore, #tpu.memory_space<semaphore_mem>>
    tpu.enqueue_indirect_dma source(%dma_start3A_188 : memref<1000000x64xf32, #tpu.memory_space<hbm>>) target(%dma_start3A_182 : memref<50x64xf32, #tpu.memory_space<vmem>>) offsets(%dma_start3A_185 : memref<50xi32, #tpu.memory_space<vmem>>) semaphore(%dma_start3A_190 : memref<!tpu.dma_semaphore, #tpu.memory_space<semaphore_mem>>)
    %dma_start3A_191 = arith.constant 9 : i32
    %dma_start3A_192 = arith.constant 0 : i32
    %dma_start3A_193 = arith.constant 9 : i32
    %dma_start3A_194 = arith.constant 0 : i32
    %dma_start3A_195 = arith.constant 0 : i32
    %dma_start3A_196 = arith.constant 0 : i32
    %dma_start3A_197 = arith.constant 0 : i32
    %dma_start3A_198 = tpu.memref_slice %arg6[%dma_start3A_192, %dma_start3A_195, %dma_start3A_196, %dma_start3A_197] : memref<2x16x50x64xf32, #tpu.memory_space<vmem>> -> memref<1x16x50x64xf32, #tpu.memory_space<vmem>>
    %dma_start3A_199 = tpu.memref_squeeze %dma_start3A_198 : memref<1x16x50x64xf32, #tpu.memory_space<vmem>> -> memref<16x50x64xf32, #tpu.memory_space<vmem>>
    %dma_start3A_200 = arith.constant 0 : i32
    %dma_start3A_201 = arith.constant 0 : i32
    %dma_start3A_202 = tpu.memref_slice %dma_start3A_199[%dma_start3A_193, %dma_start3A_200, %dma_start3A_201] : memref<16x50x64xf32, #tpu.memory_space<vmem>> -> memref<1x50x64xf32, #tpu.memory_space<vmem>>
    %dma_start3A_203 = tpu.memref_squeeze %dma_start3A_202 : memref<1x50x64xf32, #tpu.memory_space<vmem>> -> memref<50x64xf32, #tpu.memory_space<vmem>>
    %dma_start3A_204 = arith.constant 0 : i32
    %dma_start3A_205 = tpu.memref_slice %arg5[%dma_start3A_191, %dma_start3A_204] : memref<512x50xi32, #tpu.memory_space<vmem>> -> memref<1x50xi32, #tpu.memory_space<vmem>>
    %dma_start3A_206 = tpu.memref_squeeze %dma_start3A_205 : memref<1x50xi32, #tpu.memory_space<vmem>> -> memref<50xi32, #tpu.memory_space<vmem>>
    %dma_start3A_207 = arith.constant 0 : i32
    %dma_start3A_208 = arith.constant 0 : i32
    %dma_start3A_209 = tpu.memref_slice %arg2[%dma_start3A_207, %dma_start3A_208] : memref<1000000x64xf32, #tpu.memory_space<hbm>> -> memref<1000000x64xf32, #tpu.memory_space<hbm>>
    %dma_start3A_210 = tpu.memref_slice %arg7[%dma_start3A_194] : memref<2x!tpu.dma_semaphore, #tpu.memory_space<semaphore_mem>> -> memref<1x!tpu.dma_semaphore, #tpu.memory_space<semaphore_mem>>
    %dma_start3A_211 = tpu.memref_squeeze %dma_start3A_210 : memref<1x!tpu.dma_semaphore, #tpu.memory_space<semaphore_mem>> -> memref<!tpu.dma_semaphore, #tpu.memory_space<semaphore_mem>>
    tpu.enqueue_indirect_dma source(%dma_start3A_209 : memref<1000000x64xf32, #tpu.memory_space<hbm>>) target(%dma_start3A_203 : memref<50x64xf32, #tpu.memory_space<vmem>>) offsets(%dma_start3A_206 : memref<50xi32, #tpu.memory_space<vmem>>) semaphore(%dma_start3A_211 : memref<!tpu.dma_semaphore, #tpu.memory_space<semaphore_mem>>)
    %dma_start3A_212 = arith.constant 10 : i32
    %dma_start3A_213 = arith.constant 0 : i32
    %dma_start3A_214 = arith.constant 10 : i32
    %dma_start3A_215 = arith.constant 0 : i32
    %dma_start3A_216 = arith.constant 0 : i32
    %dma_start3A_217 = arith.constant 0 : i32
    %dma_start3A_218 = arith.constant 0 : i32
    %dma_start3A_219 = tpu.memref_slice %arg6[%dma_start3A_213, %dma_start3A_216, %dma_start3A_217, %dma_start3A_218] : memref<2x16x50x64xf32, #tpu.memory_space<vmem>> -> memref<1x16x50x64xf32, #tpu.memory_space<vmem>>
    %dma_start3A_220 = tpu.memref_squeeze %dma_start3A_219 : memref<1x16x50x64xf32, #tpu.memory_space<vmem>> -> memref<16x50x64xf32, #tpu.memory_space<vmem>>
    %dma_start3A_221 = arith.constant 0 : i32
    %dma_start3A_222 = arith.constant 0 : i32
    %dma_start3A_223 = tpu.memref_slice %dma_start3A_220[%dma_start3A_214, %dma_start3A_221, %dma_start3A_222] : memref<16x50x64xf32, #tpu.memory_space<vmem>> -> memref<1x50x64xf32, #tpu.memory_space<vmem>>
    %dma_start3A_224 = tpu.memref_squeeze %dma_start3A_223 : memref<1x50x64xf32, #tpu.memory_space<vmem>> -> memref<50x64xf32, #tpu.memory_space<vmem>>
    %dma_start3A_225 = arith.constant 0 : i32
    %dma_start3A_226 = tpu.memref_slice %arg5[%dma_start3A_212, %dma_start3A_225] : memref<512x50xi32, #tpu.memory_space<vmem>> -> memref<1x50xi32, #tpu.memory_space<vmem>>
    %dma_start3A_227 = tpu.memref_squeeze %dma_start3A_226 : memref<1x50xi32, #tpu.memory_space<vmem>> -> memref<50xi32, #tpu.memory_space<vmem>>
    %dma_start3A_228 = arith.constant 0 : i32
    %dma_start3A_229 = arith.constant 0 : i32
    %dma_start3A_230 = tpu.memref_slice %arg2[%dma_start3A_228, %dma_start3A_229] : memref<1000000x64xf32, #tpu.memory_space<hbm>> -> memref<1000000x64xf32, #tpu.memory_space<hbm>>
    %dma_start3A_231 = tpu.memref_slice %arg7[%dma_start3A_215] : memref<2x!tpu.dma_semaphore, #tpu.memory_space<semaphore_mem>> -> memref<1x!tpu.dma_semaphore, #tpu.memory_space<semaphore_mem>>
    %dma_start3A_232 = tpu.memref_squeeze %dma_start3A_231 : memref<1x!tpu.dma_semaphore, #tpu.memory_space<semaphore_mem>> -> memref<!tpu.dma_semaphore, #tpu.memory_space<semaphore_mem>>
    tpu.enqueue_indirect_dma source(%dma_start3A_230 : memref<1000000x64xf32, #tpu.memory_space<hbm>>) target(%dma_start3A_224 : memref<50x64xf32, #tpu.memory_space<vmem>>) offsets(%dma_start3A_227 : memref<50xi32, #tpu.memory_space<vmem>>) semaphore(%dma_start3A_232 : memref<!tpu.dma_semaphore, #tpu.memory_space<semaphore_mem>>)
    %dma_start3A_233 = arith.constant 11 : i32
    %dma_start3A_234 = arith.constant 0 : i32
    %dma_start3A_235 = arith.constant 11 : i32
    %dma_start3A_236 = arith.constant 0 : i32
    %dma_start3A_237 = arith.constant 0 : i32
    %dma_start3A_238 = arith.constant 0 : i32
    %dma_start3A_239 = arith.constant 0 : i32
    %dma_start3A_240 = tpu.memref_slice %arg6[%dma_start3A_234, %dma_start3A_237, %dma_start3A_238, %dma_start3A_239] : memref<2x16x50x64xf32, #tpu.memory_space<vmem>> -> memref<1x16x50x64xf32, #tpu.memory_space<vmem>>
    %dma_start3A_241 = tpu.memref_squeeze %dma_start3A_240 : memref<1x16x50x64xf32, #tpu.memory_space<vmem>> -> memref<16x50x64xf32, #tpu.memory_space<vmem>>
    %dma_start3A_242 = arith.constant 0 : i32
    %dma_start3A_243 = arith.constant 0 : i32
    %dma_start3A_244 = tpu.memref_slice %dma_start3A_241[%dma_start3A_235, %dma_start3A_242, %dma_start3A_243] : memref<16x50x64xf32, #tpu.memory_space<vmem>> -> memref<1x50x64xf32, #tpu.memory_space<vmem>>
    %dma_start3A_245 = tpu.memref_squeeze %dma_start3A_244 : memref<1x50x64xf32, #tpu.memory_space<vmem>> -> memref<50x64xf32, #tpu.memory_space<vmem>>
    %dma_start3A_246 = arith.constant 0 : i32
    %dma_start3A_247 = tpu.memref_slice %arg5[%dma_start3A_233, %dma_start3A_246] : memref<512x50xi32, #tpu.memory_space<vmem>> -> memref<1x50xi32, #tpu.memory_space<vmem>>
    %dma_start3A_248 = tpu.memref_squeeze %dma_start3A_247 : memref<1x50xi32, #tpu.memory_space<vmem>> -> memref<50xi32, #tpu.memory_space<vmem>>
    %dma_start3A_249 = arith.constant 0 : i32
    %dma_start3A_250 = arith.constant 0 : i32
    %dma_start3A_251 = tpu.memref_slice %arg2[%dma_start3A_249, %dma_start3A_250] : memref<1000000x64xf32, #tpu.memory_space<hbm>> -> memref<1000000x64xf32, #tpu.memory_space<hbm>>
    %dma_start3A_252 = tpu.memref_slice %arg7[%dma_start3A_236] : memref<2x!tpu.dma_semaphore, #tpu.memory_space<semaphore_mem>> -> memref<1x!tpu.dma_semaphore, #tpu.memory_space<semaphore_mem>>
    %dma_start3A_253 = tpu.memref_squeeze %dma_start3A_252 : memref<1x!tpu.dma_semaphore, #tpu.memory_space<semaphore_mem>> -> memref<!tpu.dma_semaphore, #tpu.memory_space<semaphore_mem>>
    tpu.enqueue_indirect_dma source(%dma_start3A_251 : memref<1000000x64xf32, #tpu.memory_space<hbm>>) target(%dma_start3A_245 : memref<50x64xf32, #tpu.memory_space<vmem>>) offsets(%dma_start3A_248 : memref<50xi32, #tpu.memory_space<vmem>>) semaphore(%dma_start3A_253 : memref<!tpu.dma_semaphore, #tpu.memory_space<semaphore_mem>>)
    %dma_start3A_254 = arith.constant 12 : i32
    %dma_start3A_255 = arith.constant 0 : i32
    %dma_start3A_256 = arith.constant 12 : i32
    %dma_start3A_257 = arith.constant 0 : i32
    %dma_start3A_258 = arith.constant 0 : i32
    %dma_start3A_259 = arith.constant 0 : i32
    %dma_start3A_260 = arith.constant 0 : i32
    %dma_start3A_261 = tpu.memref_slice %arg6[%dma_start3A_255, %dma_start3A_258, %dma_start3A_259, %dma_start3A_260] : memref<2x16x50x64xf32, #tpu.memory_space<vmem>> -> memref<1x16x50x64xf32, #tpu.memory_space<vmem>>
    %dma_start3A_262 = tpu.memref_squeeze %dma_start3A_261 : memref<1x16x50x64xf32, #tpu.memory_space<vmem>> -> memref<16x50x64xf32, #tpu.memory_space<vmem>>
    %dma_start3A_263 = arith.constant 0 : i32
    %dma_start3A_264 = arith.constant 0 : i32
    %dma_start3A_265 = tpu.memref_slice %dma_start3A_262[%dma_start3A_256, %dma_start3A_263, %dma_start3A_264] : memref<16x50x64xf32, #tpu.memory_space<vmem>> -> memref<1x50x64xf32, #tpu.memory_space<vmem>>
    %dma_start3A_266 = tpu.memref_squeeze %dma_start3A_265 : memref<1x50x64xf32, #tpu.memory_space<vmem>> -> memref<50x64xf32, #tpu.memory_space<vmem>>
    %dma_start3A_267 = arith.constant 0 : i32
    %dma_start3A_268 = tpu.memref_slice %arg5[%dma_start3A_254, %dma_start3A_267] : memref<512x50xi32, #tpu.memory_space<vmem>> -> memref<1x50xi32, #tpu.memory_space<vmem>>
    %dma_start3A_269 = tpu.memref_squeeze %dma_start3A_268 : memref<1x50xi32, #tpu.memory_space<vmem>> -> memref<50xi32, #tpu.memory_space<vmem>>
    %dma_start3A_270 = arith.constant 0 : i32
    %dma_start3A_271 = arith.constant 0 : i32
    %dma_start3A_272 = tpu.memref_slice %arg2[%dma_start3A_270, %dma_start3A_271] : memref<1000000x64xf32, #tpu.memory_space<hbm>> -> memref<1000000x64xf32, #tpu.memory_space<hbm>>
    %dma_start3A_273 = tpu.memref_slice %arg7[%dma_start3A_257] : memref<2x!tpu.dma_semaphore, #tpu.memory_space<semaphore_mem>> -> memref<1x!tpu.dma_semaphore, #tpu.memory_space<semaphore_mem>>
    %dma_start3A_274 = tpu.memref_squeeze %dma_start3A_273 : memref<1x!tpu.dma_semaphore, #tpu.memory_space<semaphore_mem>> -> memref<!tpu.dma_semaphore, #tpu.memory_space<semaphore_mem>>
    tpu.enqueue_indirect_dma source(%dma_start3A_272 : memref<1000000x64xf32, #tpu.memory_space<hbm>>) target(%dma_start3A_266 : memref<50x64xf32, #tpu.memory_space<vmem>>) offsets(%dma_start3A_269 : memref<50xi32, #tpu.memory_space<vmem>>) semaphore(%dma_start3A_274 : memref<!tpu.dma_semaphore, #tpu.memory_space<semaphore_mem>>)
    %dma_start3A_275 = arith.constant 13 : i32
    %dma_start3A_276 = arith.constant 0 : i32
    %dma_start3A_277 = arith.constant 13 : i32
    %dma_start3A_278 = arith.constant 0 : i32
    %dma_start3A_279 = arith.constant 0 : i32
    %dma_start3A_280 = arith.constant 0 : i32
    %dma_start3A_281 = arith.constant 0 : i32
    %dma_start3A_282 = tpu.memref_slice %arg6[%dma_start3A_276, %dma_start3A_279, %dma_start3A_280, %dma_start3A_281] : memref<2x16x50x64xf32, #tpu.memory_space<vmem>> -> memref<1x16x50x64xf32, #tpu.memory_space<vmem>>
    %dma_start3A_283 = tpu.memref_squeeze %dma_start3A_282 : memref<1x16x50x64xf32, #tpu.memory_space<vmem>> -> memref<16x50x64xf32, #tpu.memory_space<vmem>>
    %dma_start3A_284 = arith.constant 0 : i32
    %dma_start3A_285 = arith.constant 0 : i32
    %dma_start3A_286 = tpu.memref_slice %dma_start3A_283[%dma_start3A_277, %dma_start3A_284, %dma_start3A_285] : memref<16x50x64xf32, #tpu.memory_space<vmem>> -> memref<1x50x64xf32, #tpu.memory_space<vmem>>
    %dma_start3A_287 = tpu.memref_squeeze %dma_start3A_286 : memref<1x50x64xf32, #tpu.memory_space<vmem>> -> memref<50x64xf32, #tpu.memory_space<vmem>>
    %dma_start3A_288 = arith.constant 0 : i32
    %dma_start3A_289 = tpu.memref_slice %arg5[%dma_start3A_275, %dma_start3A_288] : memref<512x50xi32, #tpu.memory_space<vmem>> -> memref<1x50xi32, #tpu.memory_space<vmem>>
    %dma_start3A_290 = tpu.memref_squeeze %dma_start3A_289 : memref<1x50xi32, #tpu.memory_space<vmem>> -> memref<50xi32, #tpu.memory_space<vmem>>
    %dma_start3A_291 = arith.constant 0 : i32
    %dma_start3A_292 = arith.constant 0 : i32
    %dma_start3A_293 = tpu.memref_slice %arg2[%dma_start3A_291, %dma_start3A_292] : memref<1000000x64xf32, #tpu.memory_space<hbm>> -> memref<1000000x64xf32, #tpu.memory_space<hbm>>
    %dma_start3A_294 = tpu.memref_slice %arg7[%dma_start3A_278] : memref<2x!tpu.dma_semaphore, #tpu.memory_space<semaphore_mem>> -> memref<1x!tpu.dma_semaphore, #tpu.memory_space<semaphore_mem>>
    %dma_start3A_295 = tpu.memref_squeeze %dma_start3A_294 : memref<1x!tpu.dma_semaphore, #tpu.memory_space<semaphore_mem>> -> memref<!tpu.dma_semaphore, #tpu.memory_space<semaphore_mem>>
    tpu.enqueue_indirect_dma source(%dma_start3A_293 : memref<1000000x64xf32, #tpu.memory_space<hbm>>) target(%dma_start3A_287 : memref<50x64xf32, #tpu.memory_space<vmem>>) offsets(%dma_start3A_290 : memref<50xi32, #tpu.memory_space<vmem>>) semaphore(%dma_start3A_295 : memref<!tpu.dma_semaphore, #tpu.memory_space<semaphore_mem>>)
    %dma_start3A_296 = arith.constant 14 : i32
    %dma_start3A_297 = arith.constant 0 : i32
    %dma_start3A_298 = arith.constant 14 : i32
    %dma_start3A_299 = arith.constant 0 : i32
    %dma_start3A_300 = arith.constant 0 : i32
    %dma_start3A_301 = arith.constant 0 : i32
    %dma_start3A_302 = arith.constant 0 : i32
    %dma_start3A_303 = tpu.memref_slice %arg6[%dma_start3A_297, %dma_start3A_300, %dma_start3A_301, %dma_start3A_302] : memref<2x16x50x64xf32, #tpu.memory_space<vmem>> -> memref<1x16x50x64xf32, #tpu.memory_space<vmem>>
    %dma_start3A_304 = tpu.memref_squeeze %dma_start3A_303 : memref<1x16x50x64xf32, #tpu.memory_space<vmem>> -> memref<16x50x64xf32, #tpu.memory_space<vmem>>
    %dma_start3A_305 = arith.constant 0 : i32
    %dma_start3A_306 = arith.constant 0 : i32
    %dma_start3A_307 = tpu.memref_slice %dma_start3A_304[%dma_start3A_298, %dma_start3A_305, %dma_start3A_306] : memref<16x50x64xf32, #tpu.memory_space<vmem>> -> memref<1x50x64xf32, #tpu.memory_space<vmem>>
    %dma_start3A_308 = tpu.memref_squeeze %dma_start3A_307 : memref<1x50x64xf32, #tpu.memory_space<vmem>> -> memref<50x64xf32, #tpu.memory_space<vmem>>
    %dma_start3A_309 = arith.constant 0 : i32
    %dma_start3A_310 = tpu.memref_slice %arg5[%dma_start3A_296, %dma_start3A_309] : memref<512x50xi32, #tpu.memory_space<vmem>> -> memref<1x50xi32, #tpu.memory_space<vmem>>
    %dma_start3A_311 = tpu.memref_squeeze %dma_start3A_310 : memref<1x50xi32, #tpu.memory_space<vmem>> -> memref<50xi32, #tpu.memory_space<vmem>>
    %dma_start3A_312 = arith.constant 0 : i32
    %dma_start3A_313 = arith.constant 0 : i32
    %dma_start3A_314 = tpu.memref_slice %arg2[%dma_start3A_312, %dma_start3A_313] : memref<1000000x64xf32, #tpu.memory_space<hbm>> -> memref<1000000x64xf32, #tpu.memory_space<hbm>>
    %dma_start3A_315 = tpu.memref_slice %arg7[%dma_start3A_299] : memref<2x!tpu.dma_semaphore, #tpu.memory_space<semaphore_mem>> -> memref<1x!tpu.dma_semaphore, #tpu.memory_space<semaphore_mem>>
    %dma_start3A_316 = tpu.memref_squeeze %dma_start3A_315 : memref<1x!tpu.dma_semaphore, #tpu.memory_space<semaphore_mem>> -> memref<!tpu.dma_semaphore, #tpu.memory_space<semaphore_mem>>
    tpu.enqueue_indirect_dma source(%dma_start3A_314 : memref<1000000x64xf32, #tpu.memory_space<hbm>>) target(%dma_start3A_308 : memref<50x64xf32, #tpu.memory_space<vmem>>) offsets(%dma_start3A_311 : memref<50xi32, #tpu.memory_space<vmem>>) semaphore(%dma_start3A_316 : memref<!tpu.dma_semaphore, #tpu.memory_space<semaphore_mem>>)
    %dma_start3A_317 = arith.constant 15 : i32
    %dma_start3A_318 = arith.constant 0 : i32
    %dma_start3A_319 = arith.constant 15 : i32
    %dma_start3A_320 = arith.constant 0 : i32
    %dma_start3A_321 = arith.constant 0 : i32
    %dma_start3A_322 = arith.constant 0 : i32
    %dma_start3A_323 = arith.constant 0 : i32
    %dma_start3A_324 = tpu.memref_slice %arg6[%dma_start3A_318, %dma_start3A_321, %dma_start3A_322, %dma_start3A_323] : memref<2x16x50x64xf32, #tpu.memory_space<vmem>> -> memref<1x16x50x64xf32, #tpu.memory_space<vmem>>
    %dma_start3A_325 = tpu.memref_squeeze %dma_start3A_324 : memref<1x16x50x64xf32, #tpu.memory_space<vmem>> -> memref<16x50x64xf32, #tpu.memory_space<vmem>>
    %dma_start3A_326 = arith.constant 0 : i32
    %dma_start3A_327 = arith.constant 0 : i32
    %dma_start3A_328 = tpu.memref_slice %dma_start3A_325[%dma_start3A_319, %dma_start3A_326, %dma_start3A_327] : memref<16x50x64xf32, #tpu.memory_space<vmem>> -> memref<1x50x64xf32, #tpu.memory_space<vmem>>
    %dma_start3A_329 = tpu.memref_squeeze %dma_start3A_328 : memref<1x50x64xf32, #tpu.memory_space<vmem>> -> memref<50x64xf32, #tpu.memory_space<vmem>>
    %dma_start3A_330 = arith.constant 0 : i32
    %dma_start3A_331 = tpu.memref_slice %arg5[%dma_start3A_317, %dma_start3A_330] : memref<512x50xi32, #tpu.memory_space<vmem>> -> memref<1x50xi32, #tpu.memory_space<vmem>>
    %dma_start3A_332 = tpu.memref_squeeze %dma_start3A_331 : memref<1x50xi32, #tpu.memory_space<vmem>> -> memref<50xi32, #tpu.memory_space<vmem>>
    %dma_start3A_333 = arith.constant 0 : i32
    %dma_start3A_334 = arith.constant 0 : i32
    %dma_start3A_335 = tpu.memref_slice %arg2[%dma_start3A_333, %dma_start3A_334] : memref<1000000x64xf32, #tpu.memory_space<hbm>> -> memref<1000000x64xf32, #tpu.memory_space<hbm>>
    %dma_start3A_336 = tpu.memref_slice %arg7[%dma_start3A_320] : memref<2x!tpu.dma_semaphore, #tpu.memory_space<semaphore_mem>> -> memref<1x!tpu.dma_semaphore, #tpu.memory_space<semaphore_mem>>
    %dma_start3A_337 = tpu.memref_squeeze %dma_start3A_336 : memref<1x!tpu.dma_semaphore, #tpu.memory_space<semaphore_mem>> -> memref<!tpu.dma_semaphore, #tpu.memory_space<semaphore_mem>>
    tpu.enqueue_indirect_dma source(%dma_start3A_335 : memref<1000000x64xf32, #tpu.memory_space<hbm>>) target(%dma_start3A_329 : memref<50x64xf32, #tpu.memory_space<vmem>>) offsets(%dma_start3A_332 : memref<50xi32, #tpu.memory_space<vmem>>) semaphore(%dma_start3A_337 : memref<!tpu.dma_semaphore, #tpu.memory_space<semaphore_mem>>)
    %dma_start3A_338 = arith.constant 16 : i32
    %dma_start3A_339 = arith.constant 1 : i32
    %dma_start3A_340 = arith.constant 0 : i32
    %dma_start3A_341 = arith.constant 1 : i32
    %dma_start3A_342 = arith.constant 0 : i32
    %dma_start3A_343 = arith.constant 0 : i32
    %dma_start3A_344 = arith.constant 0 : i32
    %dma_start3A_345 = tpu.memref_slice %arg6[%dma_start3A_339, %dma_start3A_342, %dma_start3A_343, %dma_start3A_344] : memref<2x16x50x64xf32, #tpu.memory_space<vmem>> -> memref<1x16x50x64xf32, #tpu.memory_space<vmem>>
    %dma_start3A_346 = tpu.memref_squeeze %dma_start3A_345 : memref<1x16x50x64xf32, #tpu.memory_space<vmem>> -> memref<16x50x64xf32, #tpu.memory_space<vmem>>
    %dma_start3A_347 = arith.constant 0 : i32
    %dma_start3A_348 = arith.constant 0 : i32
    %dma_start3A_349 = tpu.memref_slice %dma_start3A_346[%dma_start3A_340, %dma_start3A_347, %dma_start3A_348] : memref<16x50x64xf32, #tpu.memory_space<vmem>> -> memref<1x50x64xf32, #tpu.memory_space<vmem>>
    %dma_start3A_350 = tpu.memref_squeeze %dma_start3A_349 : memref<1x50x64xf32, #tpu.memory_space<vmem>> -> memref<50x64xf32, #tpu.memory_space<vmem>>
    %dma_start3A_351 = arith.constant 0 : i32
    %dma_start3A_352 = tpu.memref_slice %arg5[%dma_start3A_338, %dma_start3A_351] : memref<512x50xi32, #tpu.memory_space<vmem>> -> memref<1x50xi32, #tpu.memory_space<vmem>>
    %dma_start3A_353 = tpu.memref_squeeze %dma_start3A_352 : memref<1x50xi32, #tpu.memory_space<vmem>> -> memref<50xi32, #tpu.memory_space<vmem>>
    %dma_start3A_354 = arith.constant 0 : i32
    %dma_start3A_355 = arith.constant 0 : i32
    %dma_start3A_356 = tpu.memref_slice %arg2[%dma_start3A_354, %dma_start3A_355] : memref<1000000x64xf32, #tpu.memory_space<hbm>> -> memref<1000000x64xf32, #tpu.memory_space<hbm>>
    %dma_start3A_357 = tpu.memref_slice %arg7[%dma_start3A_341] : memref<2x!tpu.dma_semaphore, #tpu.memory_space<semaphore_mem>> -> memref<1x!tpu.dma_semaphore, #tpu.memory_space<semaphore_mem>>
    %dma_start3A_358 = tpu.memref_squeeze %dma_start3A_357 : memref<1x!tpu.dma_semaphore, #tpu.memory_space<semaphore_mem>> -> memref<!tpu.dma_semaphore, #tpu.memory_space<semaphore_mem>>
    tpu.enqueue_indirect_dma source(%dma_start3A_356 : memref<1000000x64xf32, #tpu.memory_space<hbm>>) target(%dma_start3A_350 : memref<50x64xf32, #tpu.memory_space<vmem>>) offsets(%dma_start3A_353 : memref<50xi32, #tpu.memory_space<vmem>>) semaphore(%dma_start3A_358 : memref<!tpu.dma_semaphore, #tpu.memory_space<semaphore_mem>>)
    %dma_start3A_359 = arith.constant 17 : i32
    %dma_start3A_360 = arith.constant 1 : i32
    %dma_start3A_361 = arith.constant 1 : i32
    %dma_start3A_362 = arith.constant 1 : i32
    %dma_start3A_363 = arith.constant 0 : i32
    %dma_start3A_364 = arith.constant 0 : i32
    %dma_start3A_365 = arith.constant 0 : i32
    %dma_start3A_366 = tpu.memref_slice %arg6[%dma_start3A_360, %dma_start3A_363, %dma_start3A_364, %dma_start3A_365] : memref<2x16x50x64xf32, #tpu.memory_space<vmem>> -> memref<1x16x50x64xf32, #tpu.memory_space<vmem>>
    %dma_start3A_367 = tpu.memref_squeeze %dma_start3A_366 : memref<1x16x50x64xf32, #tpu.memory_space<vmem>> -> memref<16x50x64xf32, #tpu.memory_space<vmem>>
    %dma_start3A_368 = arith.constant 0 : i32
    %dma_start3A_369 = arith.constant 0 : i32
    %dma_start3A_370 = tpu.memref_slice %dma_start3A_367[%dma_start3A_361, %dma_start3A_368, %dma_start3A_369] : memref<16x50x64xf32, #tpu.memory_space<vmem>> -> memref<1x50x64xf32, #tpu.memory_space<vmem>>
    %dma_start3A_371 = tpu.memref_squeeze %dma_start3A_370 : memref<1x50x64xf32, #tpu.memory_space<vmem>> -> memref<50x64xf32, #tpu.memory_space<vmem>>
    %dma_start3A_372 = arith.constant 0 : i32
    %dma_start3A_373 = tpu.memref_slice %arg5[%dma_start3A_359, %dma_start3A_372] : memref<512x50xi32, #tpu.memory_space<vmem>> -> memref<1x50xi32, #tpu.memory_space<vmem>>
    %dma_start3A_374 = tpu.memref_squeeze %dma_start3A_373 : memref<1x50xi32, #tpu.memory_space<vmem>> -> memref<50xi32, #tpu.memory_space<vmem>>
    %dma_start3A_375 = arith.constant 0 : i32
    %dma_start3A_376 = arith.constant 0 : i32
    %dma_start3A_377 = tpu.memref_slice %arg2[%dma_start3A_375, %dma_start3A_376] : memref<1000000x64xf32, #tpu.memory_space<hbm>> -> memref<1000000x64xf32, #tpu.memory_space<hbm>>
    %dma_start3A_378 = tpu.memref_slice %arg7[%dma_start3A_362] : memref<2x!tpu.dma_semaphore, #tpu.memory_space<semaphore_mem>> -> memref<1x!tpu.dma_semaphore, #tpu.memory_space<semaphore_mem>>
    %dma_start3A_379 = tpu.memref_squeeze %dma_start3A_378 : memref<1x!tpu.dma_semaphore, #tpu.memory_space<semaphore_mem>> -> memref<!tpu.dma_semaphore, #tpu.memory_space<semaphore_mem>>
    tpu.enqueue_indirect_dma source(%dma_start3A_377 : memref<1000000x64xf32, #tpu.memory_space<hbm>>) target(%dma_start3A_371 : memref<50x64xf32, #tpu.memory_space<vmem>>) offsets(%dma_start3A_374 : memref<50xi32, #tpu.memory_space<vmem>>) semaphore(%dma_start3A_379 : memref<!tpu.dma_semaphore, #tpu.memory_space<semaphore_mem>>)
    %dma_start3A_380 = arith.constant 18 : i32
    %dma_start3A_381 = arith.constant 1 : i32
    %dma_start3A_382 = arith.constant 2 : i32
    %dma_start3A_383 = arith.constant 1 : i32
    %dma_start3A_384 = arith.constant 0 : i32
    %dma_start3A_385 = arith.constant 0 : i32
    %dma_start3A_386 = arith.constant 0 : i32
    %dma_start3A_387 = tpu.memref_slice %arg6[%dma_start3A_381, %dma_start3A_384, %dma_start3A_385, %dma_start3A_386] : memref<2x16x50x64xf32, #tpu.memory_space<vmem>> -> memref<1x16x50x64xf32, #tpu.memory_space<vmem>>
    %dma_start3A_388 = tpu.memref_squeeze %dma_start3A_387 : memref<1x16x50x64xf32, #tpu.memory_space<vmem>> -> memref<16x50x64xf32, #tpu.memory_space<vmem>>
    %dma_start3A_389 = arith.constant 0 : i32
    %dma_start3A_390 = arith.constant 0 : i32
    %dma_start3A_391 = tpu.memref_slice %dma_start3A_388[%dma_start3A_382, %dma_start3A_389, %dma_start3A_390] : memref<16x50x64xf32, #tpu.memory_space<vmem>> -> memref<1x50x64xf32, #tpu.memory_space<vmem>>
    %dma_start3A_392 = tpu.memref_squeeze %dma_start3A_391 : memref<1x50x64xf32, #tpu.memory_space<vmem>> -> memref<50x64xf32, #tpu.memory_space<vmem>>
    %dma_start3A_393 = arith.constant 0 : i32
    %dma_start3A_394 = tpu.memref_slice %arg5[%dma_start3A_380, %dma_start3A_393] : memref<512x50xi32, #tpu.memory_space<vmem>> -> memref<1x50xi32, #tpu.memory_space<vmem>>
    %dma_start3A_395 = tpu.memref_squeeze %dma_start3A_394 : memref<1x50xi32, #tpu.memory_space<vmem>> -> memref<50xi32, #tpu.memory_space<vmem>>
    %dma_start3A_396 = arith.constant 0 : i32
    %dma_start3A_397 = arith.constant 0 : i32
    %dma_start3A_398 = tpu.memref_slice %arg2[%dma_start3A_396, %dma_start3A_397] : memref<1000000x64xf32, #tpu.memory_space<hbm>> -> memref<1000000x64xf32, #tpu.memory_space<hbm>>
    %dma_start3A_399 = tpu.memref_slice %arg7[%dma_start3A_383] : memref<2x!tpu.dma_semaphore, #tpu.memory_space<semaphore_mem>> -> memref<1x!tpu.dma_semaphore, #tpu.memory_space<semaphore_mem>>
    %dma_start3A_400 = tpu.memref_squeeze %dma_start3A_399 : memref<1x!tpu.dma_semaphore, #tpu.memory_space<semaphore_mem>> -> memref<!tpu.dma_semaphore, #tpu.memory_space<semaphore_mem>>
    tpu.enqueue_indirect_dma source(%dma_start3A_398 : memref<1000000x64xf32, #tpu.memory_space<hbm>>) target(%dma_start3A_392 : memref<50x64xf32, #tpu.memory_space<vmem>>) offsets(%dma_start3A_395 : memref<50xi32, #tpu.memory_space<vmem>>) semaphore(%dma_start3A_400 : memref<!tpu.dma_semaphore, #tpu.memory_space<semaphore_mem>>)
    %dma_start3A_401 = arith.constant 19 : i32
    %dma_start3A_402 = arith.constant 1 : i32
    %dma_start3A_403 = arith.constant 3 : i32
    %dma_start3A_404 = arith.constant 1 : i32
    %dma_start3A_405 = arith.constant 0 : i32
    %dma_start3A_406 = arith.constant 0 : i32
    %dma_start3A_407 = arith.constant 0 : i32
    %dma_start3A_408 = tpu.memref_slice %arg6[%dma_start3A_402, %dma_start3A_405, %dma_start3A_406, %dma_start3A_407] : memref<2x16x50x64xf32, #tpu.memory_space<vmem>> -> memref<1x16x50x64xf32, #tpu.memory_space<vmem>>
    %dma_start3A_409 = tpu.memref_squeeze %dma_start3A_408 : memref<1x16x50x64xf32, #tpu.memory_space<vmem>> -> memref<16x50x64xf32, #tpu.memory_space<vmem>>
    %dma_start3A_410 = arith.constant 0 : i32
    %dma_start3A_411 = arith.constant 0 : i32
    %dma_start3A_412 = tpu.memref_slice %dma_start3A_409[%dma_start3A_403, %dma_start3A_410, %dma_start3A_411] : memref<16x50x64xf32, #tpu.memory_space<vmem>> -> memref<1x50x64xf32, #tpu.memory_space<vmem>>
    %dma_start3A_413 = tpu.memref_squeeze %dma_start3A_412 : memref<1x50x64xf32, #tpu.memory_space<vmem>> -> memref<50x64xf32, #tpu.memory_space<vmem>>
    %dma_start3A_414 = arith.constant 0 : i32
    %dma_start3A_415 = tpu.memref_slice %arg5[%dma_start3A_401, %dma_start3A_414] : memref<512x50xi32, #tpu.memory_space<vmem>> -> memref<1x50xi32, #tpu.memory_space<vmem>>
    %dma_start3A_416 = tpu.memref_squeeze %dma_start3A_415 : memref<1x50xi32, #tpu.memory_space<vmem>> -> memref<50xi32, #tpu.memory_space<vmem>>
    %dma_start3A_417 = arith.constant 0 : i32
    %dma_start3A_418 = arith.constant 0 : i32
    %dma_start3A_419 = tpu.memref_slice %arg2[%dma_start3A_417, %dma_start3A_418] : memref<1000000x64xf32, #tpu.memory_space<hbm>> -> memref<1000000x64xf32, #tpu.memory_space<hbm>>
    %dma_start3A_420 = tpu.memref_slice %arg7[%dma_start3A_404] : memref<2x!tpu.dma_semaphore, #tpu.memory_space<semaphore_mem>> -> memref<1x!tpu.dma_semaphore, #tpu.memory_space<semaphore_mem>>
    %dma_start3A_421 = tpu.memref_squeeze %dma_start3A_420 : memref<1x!tpu.dma_semaphore, #tpu.memory_space<semaphore_mem>> -> memref<!tpu.dma_semaphore, #tpu.memory_space<semaphore_mem>>
    tpu.enqueue_indirect_dma source(%dma_start3A_419 : memref<1000000x64xf32, #tpu.memory_space<hbm>>) target(%dma_start3A_413 : memref<50x64xf32, #tpu.memory_space<vmem>>) offsets(%dma_start3A_416 : memref<50xi32, #tpu.memory_space<vmem>>) semaphore(%dma_start3A_421 : memref<!tpu.dma_semaphore, #tpu.memory_space<semaphore_mem>>)
    %dma_start3A_422 = arith.constant 20 : i32
    %dma_start3A_423 = arith.constant 1 : i32
    %dma_start3A_424 = arith.constant 4 : i32
    %dma_start3A_425 = arith.constant 1 : i32
    %dma_start3A_426 = arith.constant 0 : i32
    %dma_start3A_427 = arith.constant 0 : i32
    %dma_start3A_428 = arith.constant 0 : i32
    %dma_start3A_429 = tpu.memref_slice %arg6[%dma_start3A_423, %dma_start3A_426, %dma_start3A_427, %dma_start3A_428] : memref<2x16x50x64xf32, #tpu.memory_space<vmem>> -> memref<1x16x50x64xf32, #tpu.memory_space<vmem>>
    %dma_start3A_430 = tpu.memref_squeeze %dma_start3A_429 : memref<1x16x50x64xf32, #tpu.memory_space<vmem>> -> memref<16x50x64xf32, #tpu.memory_space<vmem>>
    %dma_start3A_431 = arith.constant 0 : i32
    %dma_start3A_432 = arith.constant 0 : i32
    %dma_start3A_433 = tpu.memref_slice %dma_start3A_430[%dma_start3A_424, %dma_start3A_431, %dma_start3A_432] : memref<16x50x64xf32, #tpu.memory_space<vmem>> -> memref<1x50x64xf32, #tpu.memory_space<vmem>>
    %dma_start3A_434 = tpu.memref_squeeze %dma_start3A_433 : memref<1x50x64xf32, #tpu.memory_space<vmem>> -> memref<50x64xf32, #tpu.memory_space<vmem>>
    %dma_start3A_435 = arith.constant 0 : i32
    %dma_start3A_436 = tpu.memref_slice %arg5[%dma_start3A_422, %dma_start3A_435] : memref<512x50xi32, #tpu.memory_space<vmem>> -> memref<1x50xi32, #tpu.memory_space<vmem>>
    %dma_start3A_437 = tpu.memref_squeeze %dma_start3A_436 : memref<1x50xi32, #tpu.memory_space<vmem>> -> memref<50xi32, #tpu.memory_space<vmem>>
    %dma_start3A_438 = arith.constant 0 : i32
    %dma_start3A_439 = arith.constant 0 : i32
    %dma_start3A_440 = tpu.memref_slice %arg2[%dma_start3A_438, %dma_start3A_439] : memref<1000000x64xf32, #tpu.memory_space<hbm>> -> memref<1000000x64xf32, #tpu.memory_space<hbm>>
    %dma_start3A_441 = tpu.memref_slice %arg7[%dma_start3A_425] : memref<2x!tpu.dma_semaphore, #tpu.memory_space<semaphore_mem>> -> memref<1x!tpu.dma_semaphore, #tpu.memory_space<semaphore_mem>>
    %dma_start3A_442 = tpu.memref_squeeze %dma_start3A_441 : memref<1x!tpu.dma_semaphore, #tpu.memory_space<semaphore_mem>> -> memref<!tpu.dma_semaphore, #tpu.memory_space<semaphore_mem>>
    tpu.enqueue_indirect_dma source(%dma_start3A_440 : memref<1000000x64xf32, #tpu.memory_space<hbm>>) target(%dma_start3A_434 : memref<50x64xf32, #tpu.memory_space<vmem>>) offsets(%dma_start3A_437 : memref<50xi32, #tpu.memory_space<vmem>>) semaphore(%dma_start3A_442 : memref<!tpu.dma_semaphore, #tpu.memory_space<semaphore_mem>>)
    %dma_start3A_443 = arith.constant 21 : i32
    %dma_start3A_444 = arith.constant 1 : i32
    %dma_start3A_445 = arith.constant 5 : i32
    %dma_start3A_446 = arith.constant 1 : i32
    %dma_start3A_447 = arith.constant 0 : i32
    %dma_start3A_448 = arith.constant 0 : i32
    %dma_start3A_449 = arith.constant 0 : i32
    %dma_start3A_450 = tpu.memref_slice %arg6[%dma_start3A_444, %dma_start3A_447, %dma_start3A_448, %dma_start3A_449] : memref<2x16x50x64xf32, #tpu.memory_space<vmem>> -> memref<1x16x50x64xf32, #tpu.memory_space<vmem>>
    %dma_start3A_451 = tpu.memref_squeeze %dma_start3A_450 : memref<1x16x50x64xf32, #tpu.memory_space<vmem>> -> memref<16x50x64xf32, #tpu.memory_space<vmem>>
    %dma_start3A_452 = arith.constant 0 : i32
    %dma_start3A_453 = arith.constant 0 : i32
    %dma_start3A_454 = tpu.memref_slice %dma_start3A_451[%dma_start3A_445, %dma_start3A_452, %dma_start3A_453] : memref<16x50x64xf32, #tpu.memory_space<vmem>> -> memref<1x50x64xf32, #tpu.memory_space<vmem>>
    %dma_start3A_455 = tpu.memref_squeeze %dma_start3A_454 : memref<1x50x64xf32, #tpu.memory_space<vmem>> -> memref<50x64xf32, #tpu.memory_space<vmem>>
    %dma_start3A_456 = arith.constant 0 : i32
    %dma_start3A_457 = tpu.memref_slice %arg5[%dma_start3A_443, %dma_start3A_456] : memref<512x50xi32, #tpu.memory_space<vmem>> -> memref<1x50xi32, #tpu.memory_space<vmem>>
    %dma_start3A_458 = tpu.memref_squeeze %dma_start3A_457 : memref<1x50xi32, #tpu.memory_space<vmem>> -> memref<50xi32, #tpu.memory_space<vmem>>
    %dma_start3A_459 = arith.constant 0 : i32
    %dma_start3A_460 = arith.constant 0 : i32
    %dma_start3A_461 = tpu.memref_slice %arg2[%dma_start3A_459, %dma_start3A_460] : memref<1000000x64xf32, #tpu.memory_space<hbm>> -> memref<1000000x64xf32, #tpu.memory_space<hbm>>
    %dma_start3A_462 = tpu.memref_slice %arg7[%dma_start3A_446] : memref<2x!tpu.dma_semaphore, #tpu.memory_space<semaphore_mem>> -> memref<1x!tpu.dma_semaphore, #tpu.memory_space<semaphore_mem>>
    %dma_start3A_463 = tpu.memref_squeeze %dma_start3A_462 : memref<1x!tpu.dma_semaphore, #tpu.memory_space<semaphore_mem>> -> memref<!tpu.dma_semaphore, #tpu.memory_space<semaphore_mem>>
    tpu.enqueue_indirect_dma source(%dma_start3A_461 : memref<1000000x64xf32, #tpu.memory_space<hbm>>) target(%dma_start3A_455 : memref<50x64xf32, #tpu.memory_space<vmem>>) offsets(%dma_start3A_458 : memref<50xi32, #tpu.memory_space<vmem>>) semaphore(%dma_start3A_463 : memref<!tpu.dma_semaphore, #tpu.memory_space<semaphore_mem>>)
    %dma_start3A_464 = arith.constant 22 : i32
    %dma_start3A_465 = arith.constant 1 : i32
    %dma_start3A_466 = arith.constant 6 : i32
    %dma_start3A_467 = arith.constant 1 : i32
    %dma_start3A_468 = arith.constant 0 : i32
    %dma_start3A_469 = arith.constant 0 : i32
    %dma_start3A_470 = arith.constant 0 : i32
    %dma_start3A_471 = tpu.memref_slice %arg6[%dma_start3A_465, %dma_start3A_468, %dma_start3A_469, %dma_start3A_470] : memref<2x16x50x64xf32, #tpu.memory_space<vmem>> -> memref<1x16x50x64xf32, #tpu.memory_space<vmem>>
    %dma_start3A_472 = tpu.memref_squeeze %dma_start3A_471 : memref<1x16x50x64xf32, #tpu.memory_space<vmem>> -> memref<16x50x64xf32, #tpu.memory_space<vmem>>
    %dma_start3A_473 = arith.constant 0 : i32
    %dma_start3A_474 = arith.constant 0 : i32
    %dma_start3A_475 = tpu.memref_slice %dma_start3A_472[%dma_start3A_466, %dma_start3A_473, %dma_start3A_474] : memref<16x50x64xf32, #tpu.memory_space<vmem>> -> memref<1x50x64xf32, #tpu.memory_space<vmem>>
    %dma_start3A_476 = tpu.memref_squeeze %dma_start3A_475 : memref<1x50x64xf32, #tpu.memory_space<vmem>> -> memref<50x64xf32, #tpu.memory_space<vmem>>
    %dma_start3A_477 = arith.constant 0 : i32
    %dma_start3A_478 = tpu.memref_slice %arg5[%dma_start3A_464, %dma_start3A_477] : memref<512x50xi32, #tpu.memory_space<vmem>> -> memref<1x50xi32, #tpu.memory_space<vmem>>
    %dma_start3A_479 = tpu.memref_squeeze %dma_start3A_478 : memref<1x50xi32, #tpu.memory_space<vmem>> -> memref<50xi32, #tpu.memory_space<vmem>>
    %dma_start3A_480 = arith.constant 0 : i32
    %dma_start3A_481 = arith.constant 0 : i32
    %dma_start3A_482 = tpu.memref_slice %arg2[%dma_start3A_480, %dma_start3A_481] : memref<1000000x64xf32, #tpu.memory_space<hbm>> -> memref<1000000x64xf32, #tpu.memory_space<hbm>>
    %dma_start3A_483 = tpu.memref_slice %arg7[%dma_start3A_467] : memref<2x!tpu.dma_semaphore, #tpu.memory_space<semaphore_mem>> -> memref<1x!tpu.dma_semaphore, #tpu.memory_space<semaphore_mem>>
    %dma_start3A_484 = tpu.memref_squeeze %dma_start3A_483 : memref<1x!tpu.dma_semaphore, #tpu.memory_space<semaphore_mem>> -> memref<!tpu.dma_semaphore, #tpu.memory_space<semaphore_mem>>
    tpu.enqueue_indirect_dma source(%dma_start3A_482 : memref<1000000x64xf32, #tpu.memory_space<hbm>>) target(%dma_start3A_476 : memref<50x64xf32, #tpu.memory_space<vmem>>) offsets(%dma_start3A_479 : memref<50xi32, #tpu.memory_space<vmem>>) semaphore(%dma_start3A_484 : memref<!tpu.dma_semaphore, #tpu.memory_space<semaphore_mem>>)
    %dma_start3A_485 = arith.constant 23 : i32
    %dma_start3A_486 = arith.constant 1 : i32
    %dma_start3A_487 = arith.constant 7 : i32
    %dma_start3A_488 = arith.constant 1 : i32
    %dma_start3A_489 = arith.constant 0 : i32
    %dma_start3A_490 = arith.constant 0 : i32
    %dma_start3A_491 = arith.constant 0 : i32
    %dma_start3A_492 = tpu.memref_slice %arg6[%dma_start3A_486, %dma_start3A_489, %dma_start3A_490, %dma_start3A_491] : memref<2x16x50x64xf32, #tpu.memory_space<vmem>> -> memref<1x16x50x64xf32, #tpu.memory_space<vmem>>
    %dma_start3A_493 = tpu.memref_squeeze %dma_start3A_492 : memref<1x16x50x64xf32, #tpu.memory_space<vmem>> -> memref<16x50x64xf32, #tpu.memory_space<vmem>>
    %dma_start3A_494 = arith.constant 0 : i32
    %dma_start3A_495 = arith.constant 0 : i32
    %dma_start3A_496 = tpu.memref_slice %dma_start3A_493[%dma_start3A_487, %dma_start3A_494, %dma_start3A_495] : memref<16x50x64xf32, #tpu.memory_space<vmem>> -> memref<1x50x64xf32, #tpu.memory_space<vmem>>
    %dma_start3A_497 = tpu.memref_squeeze %dma_start3A_496 : memref<1x50x64xf32, #tpu.memory_space<vmem>> -> memref<50x64xf32, #tpu.memory_space<vmem>>
    %dma_start3A_498 = arith.constant 0 : i32
    %dma_start3A_499 = tpu.memref_slice %arg5[%dma_start3A_485, %dma_start3A_498] : memref<512x50xi32, #tpu.memory_space<vmem>> -> memref<1x50xi32, #tpu.memory_space<vmem>>
    %dma_start3A_500 = tpu.memref_squeeze %dma_start3A_499 : memref<1x50xi32, #tpu.memory_space<vmem>> -> memref<50xi32, #tpu.memory_space<vmem>>
    %dma_start3A_501 = arith.constant 0 : i32
    %dma_start3A_502 = arith.constant 0 : i32
    %dma_start3A_503 = tpu.memref_slice %arg2[%dma_start3A_501, %dma_start3A_502] : memref<1000000x64xf32, #tpu.memory_space<hbm>> -> memref<1000000x64xf32, #tpu.memory_space<hbm>>
    %dma_start3A_504 = tpu.memref_slice %arg7[%dma_start3A_488] : memref<2x!tpu.dma_semaphore, #tpu.memory_space<semaphore_mem>> -> memref<1x!tpu.dma_semaphore, #tpu.memory_space<semaphore_mem>>
    %dma_start3A_505 = tpu.memref_squeeze %dma_start3A_504 : memref<1x!tpu.dma_semaphore, #tpu.memory_space<semaphore_mem>> -> memref<!tpu.dma_semaphore, #tpu.memory_space<semaphore_mem>>
    tpu.enqueue_indirect_dma source(%dma_start3A_503 : memref<1000000x64xf32, #tpu.memory_space<hbm>>) target(%dma_start3A_497 : memref<50x64xf32, #tpu.memory_space<vmem>>) offsets(%dma_start3A_500 : memref<50xi32, #tpu.memory_space<vmem>>) semaphore(%dma_start3A_505 : memref<!tpu.dma_semaphore, #tpu.memory_space<semaphore_mem>>)
    %dma_start3A_506 = arith.constant 24 : i32
    %dma_start3A_507 = arith.constant 1 : i32
    %dma_start3A_508 = arith.constant 8 : i32
    %dma_start3A_509 = arith.constant 1 : i32
    %dma_start3A_510 = arith.constant 0 : i32
    %dma_start3A_511 = arith.constant 0 : i32
    %dma_start3A_512 = arith.constant 0 : i32
    %dma_start3A_513 = tpu.memref_slice %arg6[%dma_start3A_507, %dma_start3A_510, %dma_start3A_511, %dma_start3A_512] : memref<2x16x50x64xf32, #tpu.memory_space<vmem>> -> memref<1x16x50x64xf32, #tpu.memory_space<vmem>>
    %dma_start3A_514 = tpu.memref_squeeze %dma_start3A_513 : memref<1x16x50x64xf32, #tpu.memory_space<vmem>> -> memref<16x50x64xf32, #tpu.memory_space<vmem>>
    %dma_start3A_515 = arith.constant 0 : i32
    %dma_start3A_516 = arith.constant 0 : i32
    %dma_start3A_517 = tpu.memref_slice %dma_start3A_514[%dma_start3A_508, %dma_start3A_515, %dma_start3A_516] : memref<16x50x64xf32, #tpu.memory_space<vmem>> -> memref<1x50x64xf32, #tpu.memory_space<vmem>>
    %dma_start3A_518 = tpu.memref_squeeze %dma_start3A_517 : memref<1x50x64xf32, #tpu.memory_space<vmem>> -> memref<50x64xf32, #tpu.memory_space<vmem>>
    %dma_start3A_519 = arith.constant 0 : i32
    %dma_start3A_520 = tpu.memref_slice %arg5[%dma_start3A_506, %dma_start3A_519] : memref<512x50xi32, #tpu.memory_space<vmem>> -> memref<1x50xi32, #tpu.memory_space<vmem>>
    %dma_start3A_521 = tpu.memref_squeeze %dma_start3A_520 : memref<1x50xi32, #tpu.memory_space<vmem>> -> memref<50xi32, #tpu.memory_space<vmem>>
    %dma_start3A_522 = arith.constant 0 : i32
    %dma_start3A_523 = arith.constant 0 : i32
    %dma_start3A_524 = tpu.memref_slice %arg2[%dma_start3A_522, %dma_start3A_523] : memref<1000000x64xf32, #tpu.memory_space<hbm>> -> memref<1000000x64xf32, #tpu.memory_space<hbm>>
    %dma_start3A_525 = tpu.memref_slice %arg7[%dma_start3A_509] : memref<2x!tpu.dma_semaphore, #tpu.memory_space<semaphore_mem>> -> memref<1x!tpu.dma_semaphore, #tpu.memory_space<semaphore_mem>>
    %dma_start3A_526 = tpu.memref_squeeze %dma_start3A_525 : memref<1x!tpu.dma_semaphore, #tpu.memory_space<semaphore_mem>> -> memref<!tpu.dma_semaphore, #tpu.memory_space<semaphore_mem>>
    tpu.enqueue_indirect_dma source(%dma_start3A_524 : memref<1000000x64xf32, #tpu.memory_space<hbm>>) target(%dma_start3A_518 : memref<50x64xf32, #tpu.memory_space<vmem>>) offsets(%dma_start3A_521 : memref<50xi32, #tpu.memory_space<vmem>>) semaphore(%dma_start3A_526 : memref<!tpu.dma_semaphore, #tpu.memory_space<semaphore_mem>>)
    %dma_start3A_527 = arith.constant 25 : i32
    %dma_start3A_528 = arith.constant 1 : i32
    %dma_start3A_529 = arith.constant 9 : i32
    %dma_start3A_530 = arith.constant 1 : i32
    %dma_start3A_531 = arith.constant 0 : i32
    %dma_start3A_532 = arith.constant 0 : i32
    %dma_start3A_533 = arith.constant 0 : i32
    %dma_start3A_534 = tpu.memref_slice %arg6[%dma_start3A_528, %dma_start3A_531, %dma_start3A_532, %dma_start3A_533] : memref<2x16x50x64xf32, #tpu.memory_space<vmem>> -> memref<1x16x50x64xf32, #tpu.memory_space<vmem>>
    %dma_start3A_535 = tpu.memref_squeeze %dma_start3A_534 : memref<1x16x50x64xf32, #tpu.memory_space<vmem>> -> memref<16x50x64xf32, #tpu.memory_space<vmem>>
    %dma_start3A_536 = arith.constant 0 : i32
    %dma_start3A_537 = arith.constant 0 : i32
    %dma_start3A_538 = tpu.memref_slice %dma_start3A_535[%dma_start3A_529, %dma_start3A_536, %dma_start3A_537] : memref<16x50x64xf32, #tpu.memory_space<vmem>> -> memref<1x50x64xf32, #tpu.memory_space<vmem>>
    %dma_start3A_539 = tpu.memref_squeeze %dma_start3A_538 : memref<1x50x64xf32, #tpu.memory_space<vmem>> -> memref<50x64xf32, #tpu.memory_space<vmem>>
    %dma_start3A_540 = arith.constant 0 : i32
    %dma_start3A_541 = tpu.memref_slice %arg5[%dma_start3A_527, %dma_start3A_540] : memref<512x50xi32, #tpu.memory_space<vmem>> -> memref<1x50xi32, #tpu.memory_space<vmem>>
    %dma_start3A_542 = tpu.memref_squeeze %dma_start3A_541 : memref<1x50xi32, #tpu.memory_space<vmem>> -> memref<50xi32, #tpu.memory_space<vmem>>
    %dma_start3A_543 = arith.constant 0 : i32
    %dma_start3A_544 = arith.constant 0 : i32
    %dma_start3A_545 = tpu.memref_slice %arg2[%dma_start3A_543, %dma_start3A_544] : memref<1000000x64xf32, #tpu.memory_space<hbm>> -> memref<1000000x64xf32, #tpu.memory_space<hbm>>
    %dma_start3A_546 = tpu.memref_slice %arg7[%dma_start3A_530] : memref<2x!tpu.dma_semaphore, #tpu.memory_space<semaphore_mem>> -> memref<1x!tpu.dma_semaphore, #tpu.memory_space<semaphore_mem>>
    %dma_start3A_547 = tpu.memref_squeeze %dma_start3A_546 : memref<1x!tpu.dma_semaphore, #tpu.memory_space<semaphore_mem>> -> memref<!tpu.dma_semaphore, #tpu.memory_space<semaphore_mem>>
    tpu.enqueue_indirect_dma source(%dma_start3A_545 : memref<1000000x64xf32, #tpu.memory_space<hbm>>) target(%dma_start3A_539 : memref<50x64xf32, #tpu.memory_space<vmem>>) offsets(%dma_start3A_542 : memref<50xi32, #tpu.memory_space<vmem>>) semaphore(%dma_start3A_547 : memref<!tpu.dma_semaphore, #tpu.memory_space<semaphore_mem>>)
    %dma_start3A_548 = arith.constant 26 : i32
    %dma_start3A_549 = arith.constant 1 : i32
    %dma_start3A_550 = arith.constant 10 : i32
    %dma_start3A_551 = arith.constant 1 : i32
    %dma_start3A_552 = arith.constant 0 : i32
    %dma_start3A_553 = arith.constant 0 : i32
    %dma_start3A_554 = arith.constant 0 : i32
    %dma_start3A_555 = tpu.memref_slice %arg6[%dma_start3A_549, %dma_start3A_552, %dma_start3A_553, %dma_start3A_554] : memref<2x16x50x64xf32, #tpu.memory_space<vmem>> -> memref<1x16x50x64xf32, #tpu.memory_space<vmem>>
    %dma_start3A_556 = tpu.memref_squeeze %dma_start3A_555 : memref<1x16x50x64xf32, #tpu.memory_space<vmem>> -> memref<16x50x64xf32, #tpu.memory_space<vmem>>
    %dma_start3A_557 = arith.constant 0 : i32
    %dma_start3A_558 = arith.constant 0 : i32
    %dma_start3A_559 = tpu.memref_slice %dma_start3A_556[%dma_start3A_550, %dma_start3A_557, %dma_start3A_558] : memref<16x50x64xf32, #tpu.memory_space<vmem>> -> memref<1x50x64xf32, #tpu.memory_space<vmem>>
    %dma_start3A_560 = tpu.memref_squeeze %dma_start3A_559 : memref<1x50x64xf32, #tpu.memory_space<vmem>> -> memref<50x64xf32, #tpu.memory_space<vmem>>
    %dma_start3A_561 = arith.constant 0 : i32
    %dma_start3A_562 = tpu.memref_slice %arg5[%dma_start3A_548, %dma_start3A_561] : memref<512x50xi32, #tpu.memory_space<vmem>> -> memref<1x50xi32, #tpu.memory_space<vmem>>
    %dma_start3A_563 = tpu.memref_squeeze %dma_start3A_562 : memref<1x50xi32, #tpu.memory_space<vmem>> -> memref<50xi32, #tpu.memory_space<vmem>>
    %dma_start3A_564 = arith.constant 0 : i32
    %dma_start3A_565 = arith.constant 0 : i32
    %dma_start3A_566 = tpu.memref_slice %arg2[%dma_start3A_564, %dma_start3A_565] : memref<1000000x64xf32, #tpu.memory_space<hbm>> -> memref<1000000x64xf32, #tpu.memory_space<hbm>>
    %dma_start3A_567 = tpu.memref_slice %arg7[%dma_start3A_551] : memref<2x!tpu.dma_semaphore, #tpu.memory_space<semaphore_mem>> -> memref<1x!tpu.dma_semaphore, #tpu.memory_space<semaphore_mem>>
    %dma_start3A_568 = tpu.memref_squeeze %dma_start3A_567 : memref<1x!tpu.dma_semaphore, #tpu.memory_space<semaphore_mem>> -> memref<!tpu.dma_semaphore, #tpu.memory_space<semaphore_mem>>
    tpu.enqueue_indirect_dma source(%dma_start3A_566 : memref<1000000x64xf32, #tpu.memory_space<hbm>>) target(%dma_start3A_560 : memref<50x64xf32, #tpu.memory_space<vmem>>) offsets(%dma_start3A_563 : memref<50xi32, #tpu.memory_space<vmem>>) semaphore(%dma_start3A_568 : memref<!tpu.dma_semaphore, #tpu.memory_space<semaphore_mem>>)
    %dma_start3A_569 = arith.constant 27 : i32
    %dma_start3A_570 = arith.constant 1 : i32
    %dma_start3A_571 = arith.constant 11 : i32
    %dma_start3A_572 = arith.constant 1 : i32
    %dma_start3A_573 = arith.constant 0 : i32
    %dma_start3A_574 = arith.constant 0 : i32
    %dma_start3A_575 = arith.constant 0 : i32
    %dma_start3A_576 = tpu.memref_slice %arg6[%dma_start3A_570, %dma_start3A_573, %dma_start3A_574, %dma_start3A_575] : memref<2x16x50x64xf32, #tpu.memory_space<vmem>> -> memref<1x16x50x64xf32, #tpu.memory_space<vmem>>
    %dma_start3A_577 = tpu.memref_squeeze %dma_start3A_576 : memref<1x16x50x64xf32, #tpu.memory_space<vmem>> -> memref<16x50x64xf32, #tpu.memory_space<vmem>>
    %dma_start3A_578 = arith.constant 0 : i32
    %dma_start3A_579 = arith.constant 0 : i32
    %dma_start3A_580 = tpu.memref_slice %dma_start3A_577[%dma_start3A_571, %dma_start3A_578, %dma_start3A_579] : memref<16x50x64xf32, #tpu.memory_space<vmem>> -> memref<1x50x64xf32, #tpu.memory_space<vmem>>
    %dma_start3A_581 = tpu.memref_squeeze %dma_start3A_580 : memref<1x50x64xf32, #tpu.memory_space<vmem>> -> memref<50x64xf32, #tpu.memory_space<vmem>>
    %dma_start3A_582 = arith.constant 0 : i32
    %dma_start3A_583 = tpu.memref_slice %arg5[%dma_start3A_569, %dma_start3A_582] : memref<512x50xi32, #tpu.memory_space<vmem>> -> memref<1x50xi32, #tpu.memory_space<vmem>>
    %dma_start3A_584 = tpu.memref_squeeze %dma_start3A_583 : memref<1x50xi32, #tpu.memory_space<vmem>> -> memref<50xi32, #tpu.memory_space<vmem>>
    %dma_start3A_585 = arith.constant 0 : i32
    %dma_start3A_586 = arith.constant 0 : i32
    %dma_start3A_587 = tpu.memref_slice %arg2[%dma_start3A_585, %dma_start3A_586] : memref<1000000x64xf32, #tpu.memory_space<hbm>> -> memref<1000000x64xf32, #tpu.memory_space<hbm>>
    %dma_start3A_588 = tpu.memref_slice %arg7[%dma_start3A_572] : memref<2x!tpu.dma_semaphore, #tpu.memory_space<semaphore_mem>> -> memref<1x!tpu.dma_semaphore, #tpu.memory_space<semaphore_mem>>
    %dma_start3A_589 = tpu.memref_squeeze %dma_start3A_588 : memref<1x!tpu.dma_semaphore, #tpu.memory_space<semaphore_mem>> -> memref<!tpu.dma_semaphore, #tpu.memory_space<semaphore_mem>>
    tpu.enqueue_indirect_dma source(%dma_start3A_587 : memref<1000000x64xf32, #tpu.memory_space<hbm>>) target(%dma_start3A_581 : memref<50x64xf32, #tpu.memory_space<vmem>>) offsets(%dma_start3A_584 : memref<50xi32, #tpu.memory_space<vmem>>) semaphore(%dma_start3A_589 : memref<!tpu.dma_semaphore, #tpu.memory_space<semaphore_mem>>)
    %dma_start3A_590 = arith.constant 28 : i32
    %dma_start3A_591 = arith.constant 1 : i32
    %dma_start3A_592 = arith.constant 12 : i32
    %dma_start3A_593 = arith.constant 1 : i32
    %dma_start3A_594 = arith.constant 0 : i32
    %dma_start3A_595 = arith.constant 0 : i32
    %dma_start3A_596 = arith.constant 0 : i32
    %dma_start3A_597 = tpu.memref_slice %arg6[%dma_start3A_591, %dma_start3A_594, %dma_start3A_595, %dma_start3A_596] : memref<2x16x50x64xf32, #tpu.memory_space<vmem>> -> memref<1x16x50x64xf32, #tpu.memory_space<vmem>>
    %dma_start3A_598 = tpu.memref_squeeze %dma_start3A_597 : memref<1x16x50x64xf32, #tpu.memory_space<vmem>> -> memref<16x50x64xf32, #tpu.memory_space<vmem>>
    %dma_start3A_599 = arith.constant 0 : i32
    %dma_start3A_600 = arith.constant 0 : i32
    %dma_start3A_601 = tpu.memref_slice %dma_start3A_598[%dma_start3A_592, %dma_start3A_599, %dma_start3A_600] : memref<16x50x64xf32, #tpu.memory_space<vmem>> -> memref<1x50x64xf32, #tpu.memory_space<vmem>>
    %dma_start3A_602 = tpu.memref_squeeze %dma_start3A_601 : memref<1x50x64xf32, #tpu.memory_space<vmem>> -> memref<50x64xf32, #tpu.memory_space<vmem>>
    %dma_start3A_603 = arith.constant 0 : i32
    %dma_start3A_604 = tpu.memref_slice %arg5[%dma_start3A_590, %dma_start3A_603] : memref<512x50xi32, #tpu.memory_space<vmem>> -> memref<1x50xi32, #tpu.memory_space<vmem>>
    %dma_start3A_605 = tpu.memref_squeeze %dma_start3A_604 : memref<1x50xi32, #tpu.memory_space<vmem>> -> memref<50xi32, #tpu.memory_space<vmem>>
    %dma_start3A_606 = arith.constant 0 : i32
    %dma_start3A_607 = arith.constant 0 : i32
    %dma_start3A_608 = tpu.memref_slice %arg2[%dma_start3A_606, %dma_start3A_607] : memref<1000000x64xf32, #tpu.memory_space<hbm>> -> memref<1000000x64xf32, #tpu.memory_space<hbm>>
    %dma_start3A_609 = tpu.memref_slice %arg7[%dma_start3A_593] : memref<2x!tpu.dma_semaphore, #tpu.memory_space<semaphore_mem>> -> memref<1x!tpu.dma_semaphore, #tpu.memory_space<semaphore_mem>>
    %dma_start3A_610 = tpu.memref_squeeze %dma_start3A_609 : memref<1x!tpu.dma_semaphore, #tpu.memory_space<semaphore_mem>> -> memref<!tpu.dma_semaphore, #tpu.memory_space<semaphore_mem>>
    tpu.enqueue_indirect_dma source(%dma_start3A_608 : memref<1000000x64xf32, #tpu.memory_space<hbm>>) target(%dma_start3A_602 : memref<50x64xf32, #tpu.memory_space<vmem>>) offsets(%dma_start3A_605 : memref<50xi32, #tpu.memory_space<vmem>>) semaphore(%dma_start3A_610 : memref<!tpu.dma_semaphore, #tpu.memory_space<semaphore_mem>>)
    %dma_start3A_611 = arith.constant 29 : i32
    %dma_start3A_612 = arith.constant 1 : i32
    %dma_start3A_613 = arith.constant 13 : i32
    %dma_start3A_614 = arith.constant 1 : i32
    %dma_start3A_615 = arith.constant 0 : i32
    %dma_start3A_616 = arith.constant 0 : i32
    %dma_start3A_617 = arith.constant 0 : i32
    %dma_start3A_618 = tpu.memref_slice %arg6[%dma_start3A_612, %dma_start3A_615, %dma_start3A_616, %dma_start3A_617] : memref<2x16x50x64xf32, #tpu.memory_space<vmem>> -> memref<1x16x50x64xf32, #tpu.memory_space<vmem>>
    %dma_start3A_619 = tpu.memref_squeeze %dma_start3A_618 : memref<1x16x50x64xf32, #tpu.memory_space<vmem>> -> memref<16x50x64xf32, #tpu.memory_space<vmem>>
    %dma_start3A_620 = arith.constant 0 : i32
    %dma_start3A_621 = arith.constant 0 : i32
    %dma_start3A_622 = tpu.memref_slice %dma_start3A_619[%dma_start3A_613, %dma_start3A_620, %dma_start3A_621] : memref<16x50x64xf32, #tpu.memory_space<vmem>> -> memref<1x50x64xf32, #tpu.memory_space<vmem>>
    %dma_start3A_623 = tpu.memref_squeeze %dma_start3A_622 : memref<1x50x64xf32, #tpu.memory_space<vmem>> -> memref<50x64xf32, #tpu.memory_space<vmem>>
    %dma_start3A_624 = arith.constant 0 : i32
    %dma_start3A_625 = tpu.memref_slice %arg5[%dma_start3A_611, %dma_start3A_624] : memref<512x50xi32, #tpu.memory_space<vmem>> -> memref<1x50xi32, #tpu.memory_space<vmem>>
    %dma_start3A_626 = tpu.memref_squeeze %dma_start3A_625 : memref<1x50xi32, #tpu.memory_space<vmem>> -> memref<50xi32, #tpu.memory_space<vmem>>
    %dma_start3A_627 = arith.constant 0 : i32
    %dma_start3A_628 = arith.constant 0 : i32
    %dma_start3A_629 = tpu.memref_slice %arg2[%dma_start3A_627, %dma_start3A_628] : memref<1000000x64xf32, #tpu.memory_space<hbm>> -> memref<1000000x64xf32, #tpu.memory_space<hbm>>
    %dma_start3A_630 = tpu.memref_slice %arg7[%dma_start3A_614] : memref<2x!tpu.dma_semaphore, #tpu.memory_space<semaphore_mem>> -> memref<1x!tpu.dma_semaphore, #tpu.memory_space<semaphore_mem>>
    %dma_start3A_631 = tpu.memref_squeeze %dma_start3A_630 : memref<1x!tpu.dma_semaphore, #tpu.memory_space<semaphore_mem>> -> memref<!tpu.dma_semaphore, #tpu.memory_space<semaphore_mem>>
    tpu.enqueue_indirect_dma source(%dma_start3A_629 : memref<1000000x64xf32, #tpu.memory_space<hbm>>) target(%dma_start3A_623 : memref<50x64xf32, #tpu.memory_space<vmem>>) offsets(%dma_start3A_626 : memref<50xi32, #tpu.memory_space<vmem>>) semaphore(%dma_start3A_631 : memref<!tpu.dma_semaphore, #tpu.memory_space<semaphore_mem>>)
    %dma_start3A_632 = arith.constant 30 : i32
    %dma_start3A_633 = arith.constant 1 : i32
    %dma_start3A_634 = arith.constant 14 : i32
    %dma_start3A_635 = arith.constant 1 : i32
    %dma_start3A_636 = arith.constant 0 : i32
    %dma_start3A_637 = arith.constant 0 : i32
    %dma_start3A_638 = arith.constant 0 : i32
    %dma_start3A_639 = tpu.memref_slice %arg6[%dma_start3A_633, %dma_start3A_636, %dma_start3A_637, %dma_start3A_638] : memref<2x16x50x64xf32, #tpu.memory_space<vmem>> -> memref<1x16x50x64xf32, #tpu.memory_space<vmem>>
    %dma_start3A_640 = tpu.memref_squeeze %dma_start3A_639 : memref<1x16x50x64xf32, #tpu.memory_space<vmem>> -> memref<16x50x64xf32, #tpu.memory_space<vmem>>
    %dma_start3A_641 = arith.constant 0 : i32
    %dma_start3A_642 = arith.constant 0 : i32
    %dma_start3A_643 = tpu.memref_slice %dma_start3A_640[%dma_start3A_634, %dma_start3A_641, %dma_start3A_642] : memref<16x50x64xf32, #tpu.memory_space<vmem>> -> memref<1x50x64xf32, #tpu.memory_space<vmem>>
    %dma_start3A_644 = tpu.memref_squeeze %dma_start3A_643 : memref<1x50x64xf32, #tpu.memory_space<vmem>> -> memref<50x64xf32, #tpu.memory_space<vmem>>
    %dma_start3A_645 = arith.constant 0 : i32
    %dma_start3A_646 = tpu.memref_slice %arg5[%dma_start3A_632, %dma_start3A_645] : memref<512x50xi32, #tpu.memory_space<vmem>> -> memref<1x50xi32, #tpu.memory_space<vmem>>
    %dma_start3A_647 = tpu.memref_squeeze %dma_start3A_646 : memref<1x50xi32, #tpu.memory_space<vmem>> -> memref<50xi32, #tpu.memory_space<vmem>>
    %dma_start3A_648 = arith.constant 0 : i32
    %dma_start3A_649 = arith.constant 0 : i32
    %dma_start3A_650 = tpu.memref_slice %arg2[%dma_start3A_648, %dma_start3A_649] : memref<1000000x64xf32, #tpu.memory_space<hbm>> -> memref<1000000x64xf32, #tpu.memory_space<hbm>>
    %dma_start3A_651 = tpu.memref_slice %arg7[%dma_start3A_635] : memref<2x!tpu.dma_semaphore, #tpu.memory_space<semaphore_mem>> -> memref<1x!tpu.dma_semaphore, #tpu.memory_space<semaphore_mem>>
    %dma_start3A_652 = tpu.memref_squeeze %dma_start3A_651 : memref<1x!tpu.dma_semaphore, #tpu.memory_space<semaphore_mem>> -> memref<!tpu.dma_semaphore, #tpu.memory_space<semaphore_mem>>
    tpu.enqueue_indirect_dma source(%dma_start3A_650 : memref<1000000x64xf32, #tpu.memory_space<hbm>>) target(%dma_start3A_644 : memref<50x64xf32, #tpu.memory_space<vmem>>) offsets(%dma_start3A_647 : memref<50xi32, #tpu.memory_space<vmem>>) semaphore(%dma_start3A_652 : memref<!tpu.dma_semaphore, #tpu.memory_space<semaphore_mem>>)
    %dma_start3A_653 = arith.constant 31 : i32
    %dma_start3A_654 = arith.constant 1 : i32
    %dma_start3A_655 = arith.constant 15 : i32
    %dma_start3A_656 = arith.constant 1 : i32
    %dma_start3A_657 = arith.constant 0 : i32
    %dma_start3A_658 = arith.constant 0 : i32
    %dma_start3A_659 = arith.constant 0 : i32
    %dma_start3A_660 = tpu.memref_slice %arg6[%dma_start3A_654, %dma_start3A_657, %dma_start3A_658, %dma_start3A_659] : memref<2x16x50x64xf32, #tpu.memory_space<vmem>> -> memref<1x16x50x64xf32, #tpu.memory_space<vmem>>
    %dma_start3A_661 = tpu.memref_squeeze %dma_start3A_660 : memref<1x16x50x64xf32, #tpu.memory_space<vmem>> -> memref<16x50x64xf32, #tpu.memory_space<vmem>>
    %dma_start3A_662 = arith.constant 0 : i32
    %dma_start3A_663 = arith.constant 0 : i32
    %dma_start3A_664 = tpu.memref_slice %dma_start3A_661[%dma_start3A_655, %dma_start3A_662, %dma_start3A_663] : memref<16x50x64xf32, #tpu.memory_space<vmem>> -> memref<1x50x64xf32, #tpu.memory_space<vmem>>
    %dma_start3A_665 = tpu.memref_squeeze %dma_start3A_664 : memref<1x50x64xf32, #tpu.memory_space<vmem>> -> memref<50x64xf32, #tpu.memory_space<vmem>>
    %dma_start3A_666 = arith.constant 0 : i32
    %dma_start3A_667 = tpu.memref_slice %arg5[%dma_start3A_653, %dma_start3A_666] : memref<512x50xi32, #tpu.memory_space<vmem>> -> memref<1x50xi32, #tpu.memory_space<vmem>>
    %dma_start3A_668 = tpu.memref_squeeze %dma_start3A_667 : memref<1x50xi32, #tpu.memory_space<vmem>> -> memref<50xi32, #tpu.memory_space<vmem>>
    %dma_start3A_669 = arith.constant 0 : i32
    %dma_start3A_670 = arith.constant 0 : i32
    %dma_start3A_671 = tpu.memref_slice %arg2[%dma_start3A_669, %dma_start3A_670] : memref<1000000x64xf32, #tpu.memory_space<hbm>> -> memref<1000000x64xf32, #tpu.memory_space<hbm>>
    %dma_start3A_672 = tpu.memref_slice %arg7[%dma_start3A_656] : memref<2x!tpu.dma_semaphore, #tpu.memory_space<semaphore_mem>> -> memref<1x!tpu.dma_semaphore, #tpu.memory_space<semaphore_mem>>
    %dma_start3A_673 = tpu.memref_squeeze %dma_start3A_672 : memref<1x!tpu.dma_semaphore, #tpu.memory_space<semaphore_mem>> -> memref<!tpu.dma_semaphore, #tpu.memory_space<semaphore_mem>>
    tpu.enqueue_indirect_dma source(%dma_start3A_671 : memref<1000000x64xf32, #tpu.memory_space<hbm>>) target(%dma_start3A_665 : memref<50x64xf32, #tpu.memory_space<vmem>>) offsets(%dma_start3A_668 : memref<50xi32, #tpu.memory_space<vmem>>) semaphore(%dma_start3A_673 : memref<!tpu.dma_semaphore, #tpu.memory_space<semaphore_mem>>)
    %scan3A = arith.constant 0 : i32
    %scan3A_674 = arith.constant 30 : i32
    %scan3A_675 = arith.addi %scan3A, %scan3A_674 : i32
    %scan3A_676 = arith.constant 1 : i32
    scf.for %scan3A_726 = %scan3A to %scan3A_675 step %scan3A_676  : i32 {
      %jit3A = arith.constant 2 : i32
      %eq3A = arith.constant 0 : i32
      %eq3A_727 = arith.cmpi eq, %jit3A, %eq3A : i32
      %jit3A_728 = arith.constant 1 : i32
      %select_n3A = arith.select %eq3A_727, %jit3A_728, %jit3A : i32
      %rem3A = arith.remsi %scan3A_726, %select_n3A : i32
      %ne3A = arith.constant 0 : i32
      %ne3A_729 = arith.cmpi ne, %rem3A, %ne3A : i32
      %lt3A = arith.constant 0 : i32
      %lt3A_730 = arith.cmpi slt, %rem3A, %lt3A : i32
      %lt3A_731 = arith.constant 0 : i32
      %lt3A_732 = arith.cmpi slt, %select_n3A, %lt3A_731 : i32
      %ne3A_733 = arith.xori %lt3A_730, %lt3A_732 : i1
      %and3A = arith.andi %ne3A_733, %ne3A_729 : i1
      %add3A_734 = arith.addi %rem3A, %select_n3A : i32
      %select_n3A_735 = arith.select %and3A, %add3A_734, %rem3A : i32
      %mul3A_736 = arith.constant 16 : i32
      %mul3A_737 = arith.muli %scan3A_726, %mul3A_736 : i32
      %add3A_738 = arith.addi %mul3A_2, %mul3A_737 : i32
      %dma_wait3A_739 = arith.constant 0 : i32
      %dma_wait3A_740 = arith.constant 0 : i32
      %dma_wait3A_741 = arith.constant 0 : i32
      %dma_wait3A_742 = tpu.memref_slice %arg6[%select_n3A_735, %dma_wait3A_739, %dma_wait3A_740, %dma_wait3A_741] : memref<2x16x50x64xf32, #tpu.memory_space<vmem>> -> memref<1x16x50x64xf32, #tpu.memory_space<vmem>>
      %dma_wait3A_743 = tpu.memref_squeeze %dma_wait3A_742 : memref<1x16x50x64xf32, #tpu.memory_space<vmem>> -> memref<16x50x64xf32, #tpu.memory_space<vmem>>
      %dma_wait3A_744 = arith.constant 0 : i32
      %dma_wait3A_745 = arith.constant 0 : i32
      %dma_wait3A_746 = tpu.memref_slice %arg4[%add3A_738, %dma_wait3A_744, %dma_wait3A_745] : memref<16384x50x64xf32, #tpu.memory_space<hbm>> -> memref<16x50x64xf32, #tpu.memory_space<hbm>>
      %dma_wait3A_747 = tpu.memref_slice %arg7[%select_n3A_735] : memref<2x!tpu.dma_semaphore, #tpu.memory_space<semaphore_mem>> -> memref<1x!tpu.dma_semaphore, #tpu.memory_space<semaphore_mem>>
      %dma_wait3A_748 = tpu.memref_squeeze %dma_wait3A_747 : memref<1x!tpu.dma_semaphore, #tpu.memory_space<semaphore_mem>> -> memref<!tpu.dma_semaphore, #tpu.memory_space<semaphore_mem>>
      %dma_wait3A_749 = arith.constant 0 : i32
      %dma_wait3A_750 = arith.constant 0 : i32
      %dma_wait3A_751 = arith.constant 0 : i32
      %dma_wait3A_752 = tpu.memref_slice %arg6[%select_n3A_735, %dma_wait3A_749, %dma_wait3A_750, %dma_wait3A_751] : memref<2x16x50x64xf32, #tpu.memory_space<vmem>> -> memref<1x16x50x64xf32, #tpu.memory_space<vmem>>
      %dma_wait3A_753 = tpu.memref_squeeze %dma_wait3A_752 : memref<1x16x50x64xf32, #tpu.memory_space<vmem>> -> memref<16x50x64xf32, #tpu.memory_space<vmem>>
      %dma_wait3A_754 = arith.constant 0 : i32
      %dma_wait3A_755 = arith.constant 0 : i32
      %dma_wait3A_756 = tpu.memref_slice %arg4[%add3A_738, %dma_wait3A_754, %dma_wait3A_755] : memref<16384x50x64xf32, #tpu.memory_space<hbm>> -> memref<16x50x64xf32, #tpu.memory_space<hbm>>
      tpu.wait_dma2 semaphore(%dma_wait3A_748 : memref<!tpu.dma_semaphore, #tpu.memory_space<semaphore_mem>>) src(%dma_wait3A_756 : memref<16x50x64xf32, #tpu.memory_space<hbm>>) dst(%dma_wait3A_753 : memref<16x50x64xf32, #tpu.memory_space<vmem>>)
      %mul3A_757 = arith.constant 16 : i32
      %mul3A_758 = arith.muli %scan3A_726, %mul3A_757 : i32
      %add3A_759 = arith.addi %mul3A_2, %mul3A_758 : i32
      "tpu.region"() ({
        %run_scoped3A_1114 = tpu.sem_alloc : memref<!tpu.dma_semaphore, #tpu.memory_space<semaphore_mem>>
        %dma_start3A_1115 = arith.constant 0 : i32
        %dma_start3A_1116 = arith.constant 0 : i32
        %dma_start3A_1117 = arith.constant 0 : i32
        %dma_start3A_1118 = tpu.memref_slice %arg6[%select_n3A_735, %dma_start3A_1115, %dma_start3A_1116, %dma_start3A_1117] : memref<2x16x50x64xf32, #tpu.memory_space<vmem>> -> memref<1x16x50x64xf32, #tpu.memory_space<vmem>>
        %dma_start3A_1119 = tpu.memref_squeeze %dma_start3A_1118 : memref<1x16x50x64xf32, #tpu.memory_space<vmem>> -> memref<16x50x64xf32, #tpu.memory_space<vmem>>
        %dma_start3A_1120 = arith.constant 0 : i32
        %dma_start3A_1121 = arith.constant 0 : i32
        %dma_start3A_1122 = tpu.memref_slice %arg4[%add3A_759, %dma_start3A_1120, %dma_start3A_1121] : memref<16384x50x64xf32, #tpu.memory_space<hbm>> -> memref<16x50x64xf32, #tpu.memory_space<hbm>>
        %dma_start3A_1123 = arith.constant 0 : i32
        %dma_start3A_1124 = arith.constant 0 : i32
        %dma_start3A_1125 = tpu.memref_slice %arg4[%add3A_759, %dma_start3A_1123, %dma_start3A_1124] : memref<16384x50x64xf32, #tpu.memory_space<hbm>> -> memref<16x50x64xf32, #tpu.memory_space<hbm>>
        %dma_start3A_1126 = arith.constant 0 : i32
        %dma_start3A_1127 = arith.constant 0 : i32
        %dma_start3A_1128 = arith.constant 0 : i32
        %dma_start3A_1129 = tpu.memref_slice %arg6[%select_n3A_735, %dma_start3A_1126, %dma_start3A_1127, %dma_start3A_1128] : memref<2x16x50x64xf32, #tpu.memory_space<vmem>> -> memref<1x16x50x64xf32, #tpu.memory_space<vmem>>
        %dma_start3A_1130 = tpu.memref_squeeze %dma_start3A_1129 : memref<1x16x50x64xf32, #tpu.memory_space<vmem>> -> memref<16x50x64xf32, #tpu.memory_space<vmem>>
        tpu.enqueue_dma source(%dma_start3A_1130 : memref<16x50x64xf32, #tpu.memory_space<vmem>>) target(%dma_start3A_1125 : memref<16x50x64xf32, #tpu.memory_space<hbm>>) target_semaphore(%run_scoped3A_1114 : memref<!tpu.dma_semaphore, #tpu.memory_space<semaphore_mem>>)
        %dma_wait3A_1131 = arith.constant 0 : i32
        %dma_wait3A_1132 = arith.constant 0 : i32
        %dma_wait3A_1133 = arith.constant 0 : i32
        %dma_wait3A_1134 = tpu.memref_slice %arg6[%select_n3A_735, %dma_wait3A_1131, %dma_wait3A_1132, %dma_wait3A_1133] : memref<2x16x50x64xf32, #tpu.memory_space<vmem>> -> memref<1x16x50x64xf32, #tpu.memory_space<vmem>>
        %dma_wait3A_1135 = tpu.memref_squeeze %dma_wait3A_1134 : memref<1x16x50x64xf32, #tpu.memory_space<vmem>> -> memref<16x50x64xf32, #tpu.memory_space<vmem>>
        %dma_wait3A_1136 = arith.constant 0 : i32
        %dma_wait3A_1137 = arith.constant 0 : i32
        %dma_wait3A_1138 = tpu.memref_slice %arg4[%add3A_759, %dma_wait3A_1136, %dma_wait3A_1137] : memref<16384x50x64xf32, #tpu.memory_space<hbm>> -> memref<16x50x64xf32, #tpu.memory_space<hbm>>
        %dma_wait3A_1139 = arith.constant 0 : i32
        %dma_wait3A_1140 = arith.constant 0 : i32
        %dma_wait3A_1141 = tpu.memref_slice %arg4[%add3A_759, %dma_wait3A_1139, %dma_wait3A_1140] : memref<16384x50x64xf32, #tpu.memory_space<hbm>> -> memref<16x50x64xf32, #tpu.memory_space<hbm>>
        %dma_wait3A_1142 = arith.constant 0 : i32
        %dma_wait3A_1143 = arith.constant 0 : i32
        %dma_wait3A_1144 = arith.constant 0 : i32
        %dma_wait3A_1145 = tpu.memref_slice %arg6[%select_n3A_735, %dma_wait3A_1142, %dma_wait3A_1143, %dma_wait3A_1144] : memref<2x16x50x64xf32, #tpu.memory_space<vmem>> -> memref<1x16x50x64xf32, #tpu.memory_space<vmem>>
        %dma_wait3A_1146 = tpu.memref_squeeze %dma_wait3A_1145 : memref<1x16x50x64xf32, #tpu.memory_space<vmem>> -> memref<16x50x64xf32, #tpu.memory_space<vmem>>
        tpu.wait_dma2 semaphore(%run_scoped3A_1114 : memref<!tpu.dma_semaphore, #tpu.memory_space<semaphore_mem>>) src(%dma_wait3A_1146 : memref<16x50x64xf32, #tpu.memory_space<vmem>>) dst(%dma_wait3A_1141 : memref<16x50x64xf32, #tpu.memory_space<hbm>>)
        tpu.yield
      }) : () -> ()
      %add3A_760 = arith.constant 2 : i32
      %add3A_761 = arith.addi %scan3A_726, %add3A_760 : i32
      %mul3A_762 = arith.constant 16 : i32
      %mul3A_763 = arith.muli %add3A_761, %mul3A_762 : i32
      %add3A_764 = arith.constant 0 : i32
      %add3A_765 = arith.addi %mul3A_763, %add3A_764 : i32
      %dma_start3A_766 = arith.constant 0 : i32
      %dma_start3A_767 = arith.constant 0 : i32
      %dma_start3A_768 = arith.constant 0 : i32
      %dma_start3A_769 = arith.constant 0 : i32
      %dma_start3A_770 = tpu.memref_slice %arg6[%select_n3A_735, %dma_start3A_767, %dma_start3A_768, %dma_start3A_769] : memref<2x16x50x64xf32, #tpu.memory_space<vmem>> -> memref<1x16x50x64xf32, #tpu.memory_space<vmem>>
      %dma_start3A_771 = tpu.memref_squeeze %dma_start3A_770 : memref<1x16x50x64xf32, #tpu.memory_space<vmem>> -> memref<16x50x64xf32, #tpu.memory_space<vmem>>
      %dma_start3A_772 = arith.constant 0 : i32
      %dma_start3A_773 = arith.constant 0 : i32
      %dma_start3A_774 = tpu.memref_slice %dma_start3A_771[%dma_start3A_766, %dma_start3A_772, %dma_start3A_773] : memref<16x50x64xf32, #tpu.memory_space<vmem>> -> memref<1x50x64xf32, #tpu.memory_space<vmem>>
      %dma_start3A_775 = tpu.memref_squeeze %dma_start3A_774 : memref<1x50x64xf32, #tpu.memory_space<vmem>> -> memref<50x64xf32, #tpu.memory_space<vmem>>
      %dma_start3A_776 = arith.constant 0 : i32
      %dma_start3A_777 = tpu.memref_slice %arg5[%add3A_765, %dma_start3A_776] : memref<512x50xi32, #tpu.memory_space<vmem>> -> memref<1x50xi32, #tpu.memory_space<vmem>>
      %dma_start3A_778 = tpu.memref_squeeze %dma_start3A_777 : memref<1x50xi32, #tpu.memory_space<vmem>> -> memref<50xi32, #tpu.memory_space<vmem>>
      %dma_start3A_779 = arith.constant 0 : i32
      %dma_start3A_780 = arith.constant 0 : i32
      %dma_start3A_781 = tpu.memref_slice %arg2[%dma_start3A_779, %dma_start3A_780] : memref<1000000x64xf32, #tpu.memory_space<hbm>> -> memref<1000000x64xf32, #tpu.memory_space<hbm>>
      %dma_start3A_782 = tpu.memref_slice %arg7[%select_n3A_735] : memref<2x!tpu.dma_semaphore, #tpu.memory_space<semaphore_mem>> -> memref<1x!tpu.dma_semaphore, #tpu.memory_space<semaphore_mem>>
      %dma_start3A_783 = tpu.memref_squeeze %dma_start3A_782 : memref<1x!tpu.dma_semaphore, #tpu.memory_space<semaphore_mem>> -> memref<!tpu.dma_semaphore, #tpu.memory_space<semaphore_mem>>
      tpu.enqueue_indirect_dma source(%dma_start3A_781 : memref<1000000x64xf32, #tpu.memory_space<hbm>>) target(%dma_start3A_775 : memref<50x64xf32, #tpu.memory_space<vmem>>) offsets(%dma_start3A_778 : memref<50xi32, #tpu.memory_space<vmem>>) semaphore(%dma_start3A_783 : memref<!tpu.dma_semaphore, #tpu.memory_space<semaphore_mem>>)
      %mul3A_784 = arith.constant 16 : i32
      %mul3A_785 = arith.muli %add3A_761, %mul3A_784 : i32
      %add3A_786 = arith.constant 1 : i32
      %add3A_787 = arith.addi %mul3A_785, %add3A_786 : i32
      %dma_start3A_788 = arith.constant 1 : i32
      %dma_start3A_789 = arith.constant 0 : i32
      %dma_start3A_790 = arith.constant 0 : i32
      %dma_start3A_791 = arith.constant 0 : i32
      %dma_start3A_792 = tpu.memref_slice %arg6[%select_n3A_735, %dma_start3A_789, %dma_start3A_790, %dma_start3A_791] : memref<2x16x50x64xf32, #tpu.memory_space<vmem>> -> memref<1x16x50x64xf32, #tpu.memory_space<vmem>>
      %dma_start3A_793 = tpu.memref_squeeze %dma_start3A_792 : memref<1x16x50x64xf32, #tpu.memory_space<vmem>> -> memref<16x50x64xf32, #tpu.memory_space<vmem>>
      %dma_start3A_794 = arith.constant 0 : i32
      %dma_start3A_795 = arith.constant 0 : i32
      %dma_start3A_796 = tpu.memref_slice %dma_start3A_793[%dma_start3A_788, %dma_start3A_794, %dma_start3A_795] : memref<16x50x64xf32, #tpu.memory_space<vmem>> -> memref<1x50x64xf32, #tpu.memory_space<vmem>>
      %dma_start3A_797 = tpu.memref_squeeze %dma_start3A_796 : memref<1x50x64xf32, #tpu.memory_space<vmem>> -> memref<50x64xf32, #tpu.memory_space<vmem>>
      %dma_start3A_798 = arith.constant 0 : i32
      %dma_start3A_799 = tpu.memref_slice %arg5[%add3A_787, %dma_start3A_798] : memref<512x50xi32, #tpu.memory_space<vmem>> -> memref<1x50xi32, #tpu.memory_space<vmem>>
      %dma_start3A_800 = tpu.memref_squeeze %dma_start3A_799 : memref<1x50xi32, #tpu.memory_space<vmem>> -> memref<50xi32, #tpu.memory_space<vmem>>
      %dma_start3A_801 = arith.constant 0 : i32
      %dma_start3A_802 = arith.constant 0 : i32
      %dma_start3A_803 = tpu.memref_slice %arg2[%dma_start3A_801, %dma_start3A_802] : memref<1000000x64xf32, #tpu.memory_space<hbm>> -> memref<1000000x64xf32, #tpu.memory_space<hbm>>
      %dma_start3A_804 = tpu.memref_slice %arg7[%select_n3A_735] : memref<2x!tpu.dma_semaphore, #tpu.memory_space<semaphore_mem>> -> memref<1x!tpu.dma_semaphore, #tpu.memory_space<semaphore_mem>>
      %dma_start3A_805 = tpu.memref_squeeze %dma_start3A_804 : memref<1x!tpu.dma_semaphore, #tpu.memory_space<semaphore_mem>> -> memref<!tpu.dma_semaphore, #tpu.memory_space<semaphore_mem>>
      tpu.enqueue_indirect_dma source(%dma_start3A_803 : memref<1000000x64xf32, #tpu.memory_space<hbm>>) target(%dma_start3A_797 : memref<50x64xf32, #tpu.memory_space<vmem>>) offsets(%dma_start3A_800 : memref<50xi32, #tpu.memory_space<vmem>>) semaphore(%dma_start3A_805 : memref<!tpu.dma_semaphore, #tpu.memory_space<semaphore_mem>>)
      %mul3A_806 = arith.constant 16 : i32
      %mul3A_807 = arith.muli %add3A_761, %mul3A_806 : i32
      %add3A_808 = arith.constant 2 : i32
      %add3A_809 = arith.addi %mul3A_807, %add3A_808 : i32
      %dma_start3A_810 = arith.constant 2 : i32
      %dma_start3A_811 = arith.constant 0 : i32
      %dma_start3A_812 = arith.constant 0 : i32
      %dma_start3A_813 = arith.constant 0 : i32
      %dma_start3A_814 = tpu.memref_slice %arg6[%select_n3A_735, %dma_start3A_811, %dma_start3A_812, %dma_start3A_813] : memref<2x16x50x64xf32, #tpu.memory_space<vmem>> -> memref<1x16x50x64xf32, #tpu.memory_space<vmem>>
      %dma_start3A_815 = tpu.memref_squeeze %dma_start3A_814 : memref<1x16x50x64xf32, #tpu.memory_space<vmem>> -> memref<16x50x64xf32, #tpu.memory_space<vmem>>
      %dma_start3A_816 = arith.constant 0 : i32
      %dma_start3A_817 = arith.constant 0 : i32
      %dma_start3A_818 = tpu.memref_slice %dma_start3A_815[%dma_start3A_810, %dma_start3A_816, %dma_start3A_817] : memref<16x50x64xf32, #tpu.memory_space<vmem>> -> memref<1x50x64xf32, #tpu.memory_space<vmem>>
      %dma_start3A_819 = tpu.memref_squeeze %dma_start3A_818 : memref<1x50x64xf32, #tpu.memory_space<vmem>> -> memref<50x64xf32, #tpu.memory_space<vmem>>
      %dma_start3A_820 = arith.constant 0 : i32
      %dma_start3A_821 = tpu.memref_slice %arg5[%add3A_809, %dma_start3A_820] : memref<512x50xi32, #tpu.memory_space<vmem>> -> memref<1x50xi32, #tpu.memory_space<vmem>>
      %dma_start3A_822 = tpu.memref_squeeze %dma_start3A_821 : memref<1x50xi32, #tpu.memory_space<vmem>> -> memref<50xi32, #tpu.memory_space<vmem>>
      %dma_start3A_823 = arith.constant 0 : i32
      %dma_start3A_824 = arith.constant 0 : i32
      %dma_start3A_825 = tpu.memref_slice %arg2[%dma_start3A_823, %dma_start3A_824] : memref<1000000x64xf32, #tpu.memory_space<hbm>> -> memref<1000000x64xf32, #tpu.memory_space<hbm>>
      %dma_start3A_826 = tpu.memref_slice %arg7[%select_n3A_735] : memref<2x!tpu.dma_semaphore, #tpu.memory_space<semaphore_mem>> -> memref<1x!tpu.dma_semaphore, #tpu.memory_space<semaphore_mem>>
      %dma_start3A_827 = tpu.memref_squeeze %dma_start3A_826 : memref<1x!tpu.dma_semaphore, #tpu.memory_space<semaphore_mem>> -> memref<!tpu.dma_semaphore, #tpu.memory_space<semaphore_mem>>
      tpu.enqueue_indirect_dma source(%dma_start3A_825 : memref<1000000x64xf32, #tpu.memory_space<hbm>>) target(%dma_start3A_819 : memref<50x64xf32, #tpu.memory_space<vmem>>) offsets(%dma_start3A_822 : memref<50xi32, #tpu.memory_space<vmem>>) semaphore(%dma_start3A_827 : memref<!tpu.dma_semaphore, #tpu.memory_space<semaphore_mem>>)
      %mul3A_828 = arith.constant 16 : i32
      %mul3A_829 = arith.muli %add3A_761, %mul3A_828 : i32
      %add3A_830 = arith.constant 3 : i32
      %add3A_831 = arith.addi %mul3A_829, %add3A_830 : i32
      %dma_start3A_832 = arith.constant 3 : i32
      %dma_start3A_833 = arith.constant 0 : i32
      %dma_start3A_834 = arith.constant 0 : i32
      %dma_start3A_835 = arith.constant 0 : i32
      %dma_start3A_836 = tpu.memref_slice %arg6[%select_n3A_735, %dma_start3A_833, %dma_start3A_834, %dma_start3A_835] : memref<2x16x50x64xf32, #tpu.memory_space<vmem>> -> memref<1x16x50x64xf32, #tpu.memory_space<vmem>>
      %dma_start3A_837 = tpu.memref_squeeze %dma_start3A_836 : memref<1x16x50x64xf32, #tpu.memory_space<vmem>> -> memref<16x50x64xf32, #tpu.memory_space<vmem>>
      %dma_start3A_838 = arith.constant 0 : i32
      %dma_start3A_839 = arith.constant 0 : i32
      %dma_start3A_840 = tpu.memref_slice %dma_start3A_837[%dma_start3A_832, %dma_start3A_838, %dma_start3A_839] : memref<16x50x64xf32, #tpu.memory_space<vmem>> -> memref<1x50x64xf32, #tpu.memory_space<vmem>>
      %dma_start3A_841 = tpu.memref_squeeze %dma_start3A_840 : memref<1x50x64xf32, #tpu.memory_space<vmem>> -> memref<50x64xf32, #tpu.memory_space<vmem>>
      %dma_start3A_842 = arith.constant 0 : i32
      %dma_start3A_843 = tpu.memref_slice %arg5[%add3A_831, %dma_start3A_842] : memref<512x50xi32, #tpu.memory_space<vmem>> -> memref<1x50xi32, #tpu.memory_space<vmem>>
      %dma_start3A_844 = tpu.memref_squeeze %dma_start3A_843 : memref<1x50xi32, #tpu.memory_space<vmem>> -> memref<50xi32, #tpu.memory_space<vmem>>
      %dma_start3A_845 = arith.constant 0 : i32
      %dma_start3A_846 = arith.constant 0 : i32
      %dma_start3A_847 = tpu.memref_slice %arg2[%dma_start3A_845, %dma_start3A_846] : memref<1000000x64xf32, #tpu.memory_space<hbm>> -> memref<1000000x64xf32, #tpu.memory_space<hbm>>
      %dma_start3A_848 = tpu.memref_slice %arg7[%select_n3A_735] : memref<2x!tpu.dma_semaphore, #tpu.memory_space<semaphore_mem>> -> memref<1x!tpu.dma_semaphore, #tpu.memory_space<semaphore_mem>>
      %dma_start3A_849 = tpu.memref_squeeze %dma_start3A_848 : memref<1x!tpu.dma_semaphore, #tpu.memory_space<semaphore_mem>> -> memref<!tpu.dma_semaphore, #tpu.memory_space<semaphore_mem>>
      tpu.enqueue_indirect_dma source(%dma_start3A_847 : memref<1000000x64xf32, #tpu.memory_space<hbm>>) target(%dma_start3A_841 : memref<50x64xf32, #tpu.memory_space<vmem>>) offsets(%dma_start3A_844 : memref<50xi32, #tpu.memory_space<vmem>>) semaphore(%dma_start3A_849 : memref<!tpu.dma_semaphore, #tpu.memory_space<semaphore_mem>>)
      %mul3A_850 = arith.constant 16 : i32
      %mul3A_851 = arith.muli %add3A_761, %mul3A_850 : i32
      %add3A_852 = arith.constant 4 : i32
      %add3A_853 = arith.addi %mul3A_851, %add3A_852 : i32
      %dma_start3A_854 = arith.constant 4 : i32
      %dma_start3A_855 = arith.constant 0 : i32
      %dma_start3A_856 = arith.constant 0 : i32
      %dma_start3A_857 = arith.constant 0 : i32
      %dma_start3A_858 = tpu.memref_slice %arg6[%select_n3A_735, %dma_start3A_855, %dma_start3A_856, %dma_start3A_857] : memref<2x16x50x64xf32, #tpu.memory_space<vmem>> -> memref<1x16x50x64xf32, #tpu.memory_space<vmem>>
      %dma_start3A_859 = tpu.memref_squeeze %dma_start3A_858 : memref<1x16x50x64xf32, #tpu.memory_space<vmem>> -> memref<16x50x64xf32, #tpu.memory_space<vmem>>
      %dma_start3A_860 = arith.constant 0 : i32
      %dma_start3A_861 = arith.constant 0 : i32
      %dma_start3A_862 = tpu.memref_slice %dma_start3A_859[%dma_start3A_854, %dma_start3A_860, %dma_start3A_861] : memref<16x50x64xf32, #tpu.memory_space<vmem>> -> memref<1x50x64xf32, #tpu.memory_space<vmem>>
      %dma_start3A_863 = tpu.memref_squeeze %dma_start3A_862 : memref<1x50x64xf32, #tpu.memory_space<vmem>> -> memref<50x64xf32, #tpu.memory_space<vmem>>
      %dma_start3A_864 = arith.constant 0 : i32
      %dma_start3A_865 = tpu.memref_slice %arg5[%add3A_853, %dma_start3A_864] : memref<512x50xi32, #tpu.memory_space<vmem>> -> memref<1x50xi32, #tpu.memory_space<vmem>>
      %dma_start3A_866 = tpu.memref_squeeze %dma_start3A_865 : memref<1x50xi32, #tpu.memory_space<vmem>> -> memref<50xi32, #tpu.memory_space<vmem>>
      %dma_start3A_867 = arith.constant 0 : i32
      %dma_start3A_868 = arith.constant 0 : i32
      %dma_start3A_869 = tpu.memref_slice %arg2[%dma_start3A_867, %dma_start3A_868] : memref<1000000x64xf32, #tpu.memory_space<hbm>> -> memref<1000000x64xf32, #tpu.memory_space<hbm>>
      %dma_start3A_870 = tpu.memref_slice %arg7[%select_n3A_735] : memref<2x!tpu.dma_semaphore, #tpu.memory_space<semaphore_mem>> -> memref<1x!tpu.dma_semaphore, #tpu.memory_space<semaphore_mem>>
      %dma_start3A_871 = tpu.memref_squeeze %dma_start3A_870 : memref<1x!tpu.dma_semaphore, #tpu.memory_space<semaphore_mem>> -> memref<!tpu.dma_semaphore, #tpu.memory_space<semaphore_mem>>
      tpu.enqueue_indirect_dma source(%dma_start3A_869 : memref<1000000x64xf32, #tpu.memory_space<hbm>>) target(%dma_start3A_863 : memref<50x64xf32, #tpu.memory_space<vmem>>) offsets(%dma_start3A_866 : memref<50xi32, #tpu.memory_space<vmem>>) semaphore(%dma_start3A_871 : memref<!tpu.dma_semaphore, #tpu.memory_space<semaphore_mem>>)
      %mul3A_872 = arith.constant 16 : i32
      %mul3A_873 = arith.muli %add3A_761, %mul3A_872 : i32
      %add3A_874 = arith.constant 5 : i32
      %add3A_875 = arith.addi %mul3A_873, %add3A_874 : i32
      %dma_start3A_876 = arith.constant 5 : i32
      %dma_start3A_877 = arith.constant 0 : i32
      %dma_start3A_878 = arith.constant 0 : i32
      %dma_start3A_879 = arith.constant 0 : i32
      %dma_start3A_880 = tpu.memref_slice %arg6[%select_n3A_735, %dma_start3A_877, %dma_start3A_878, %dma_start3A_879] : memref<2x16x50x64xf32, #tpu.memory_space<vmem>> -> memref<1x16x50x64xf32, #tpu.memory_space<vmem>>
      %dma_start3A_881 = tpu.memref_squeeze %dma_start3A_880 : memref<1x16x50x64xf32, #tpu.memory_space<vmem>> -> memref<16x50x64xf32, #tpu.memory_space<vmem>>
      %dma_start3A_882 = arith.constant 0 : i32
      %dma_start3A_883 = arith.constant 0 : i32
      %dma_start3A_884 = tpu.memref_slice %dma_start3A_881[%dma_start3A_876, %dma_start3A_882, %dma_start3A_883] : memref<16x50x64xf32, #tpu.memory_space<vmem>> -> memref<1x50x64xf32, #tpu.memory_space<vmem>>
      %dma_start3A_885 = tpu.memref_squeeze %dma_start3A_884 : memref<1x50x64xf32, #tpu.memory_space<vmem>> -> memref<50x64xf32, #tpu.memory_space<vmem>>
      %dma_start3A_886 = arith.constant 0 : i32
      %dma_start3A_887 = tpu.memref_slice %arg5[%add3A_875, %dma_start3A_886] : memref<512x50xi32, #tpu.memory_space<vmem>> -> memref<1x50xi32, #tpu.memory_space<vmem>>
      %dma_start3A_888 = tpu.memref_squeeze %dma_start3A_887 : memref<1x50xi32, #tpu.memory_space<vmem>> -> memref<50xi32, #tpu.memory_space<vmem>>
      %dma_start3A_889 = arith.constant 0 : i32
      %dma_start3A_890 = arith.constant 0 : i32
      %dma_start3A_891 = tpu.memref_slice %arg2[%dma_start3A_889, %dma_start3A_890] : memref<1000000x64xf32, #tpu.memory_space<hbm>> -> memref<1000000x64xf32, #tpu.memory_space<hbm>>
      %dma_start3A_892 = tpu.memref_slice %arg7[%select_n3A_735] : memref<2x!tpu.dma_semaphore, #tpu.memory_space<semaphore_mem>> -> memref<1x!tpu.dma_semaphore, #tpu.memory_space<semaphore_mem>>
      %dma_start3A_893 = tpu.memref_squeeze %dma_start3A_892 : memref<1x!tpu.dma_semaphore, #tpu.memory_space<semaphore_mem>> -> memref<!tpu.dma_semaphore, #tpu.memory_space<semaphore_mem>>
      tpu.enqueue_indirect_dma source(%dma_start3A_891 : memref<1000000x64xf32, #tpu.memory_space<hbm>>) target(%dma_start3A_885 : memref<50x64xf32, #tpu.memory_space<vmem>>) offsets(%dma_start3A_888 : memref<50xi32, #tpu.memory_space<vmem>>) semaphore(%dma_start3A_893 : memref<!tpu.dma_semaphore, #tpu.memory_space<semaphore_mem>>)
      %mul3A_894 = arith.constant 16 : i32
      %mul3A_895 = arith.muli %add3A_761, %mul3A_894 : i32
      %add3A_896 = arith.constant 6 : i32
      %add3A_897 = arith.addi %mul3A_895, %add3A_896 : i32
      %dma_start3A_898 = arith.constant 6 : i32
      %dma_start3A_899 = arith.constant 0 : i32
      %dma_start3A_900 = arith.constant 0 : i32
      %dma_start3A_901 = arith.constant 0 : i32
      %dma_start3A_902 = tpu.memref_slice %arg6[%select_n3A_735, %dma_start3A_899, %dma_start3A_900, %dma_start3A_901] : memref<2x16x50x64xf32, #tpu.memory_space<vmem>> -> memref<1x16x50x64xf32, #tpu.memory_space<vmem>>
      %dma_start3A_903 = tpu.memref_squeeze %dma_start3A_902 : memref<1x16x50x64xf32, #tpu.memory_space<vmem>> -> memref<16x50x64xf32, #tpu.memory_space<vmem>>
      %dma_start3A_904 = arith.constant 0 : i32
      %dma_start3A_905 = arith.constant 0 : i32
      %dma_start3A_906 = tpu.memref_slice %dma_start3A_903[%dma_start3A_898, %dma_start3A_904, %dma_start3A_905] : memref<16x50x64xf32, #tpu.memory_space<vmem>> -> memref<1x50x64xf32, #tpu.memory_space<vmem>>
      %dma_start3A_907 = tpu.memref_squeeze %dma_start3A_906 : memref<1x50x64xf32, #tpu.memory_space<vmem>> -> memref<50x64xf32, #tpu.memory_space<vmem>>
      %dma_start3A_908 = arith.constant 0 : i32
      %dma_start3A_909 = tpu.memref_slice %arg5[%add3A_897, %dma_start3A_908] : memref<512x50xi32, #tpu.memory_space<vmem>> -> memref<1x50xi32, #tpu.memory_space<vmem>>
      %dma_start3A_910 = tpu.memref_squeeze %dma_start3A_909 : memref<1x50xi32, #tpu.memory_space<vmem>> -> memref<50xi32, #tpu.memory_space<vmem>>
      %dma_start3A_911 = arith.constant 0 : i32
      %dma_start3A_912 = arith.constant 0 : i32
      %dma_start3A_913 = tpu.memref_slice %arg2[%dma_start3A_911, %dma_start3A_912] : memref<1000000x64xf32, #tpu.memory_space<hbm>> -> memref<1000000x64xf32, #tpu.memory_space<hbm>>
      %dma_start3A_914 = tpu.memref_slice %arg7[%select_n3A_735] : memref<2x!tpu.dma_semaphore, #tpu.memory_space<semaphore_mem>> -> memref<1x!tpu.dma_semaphore, #tpu.memory_space<semaphore_mem>>
      %dma_start3A_915 = tpu.memref_squeeze %dma_start3A_914 : memref<1x!tpu.dma_semaphore, #tpu.memory_space<semaphore_mem>> -> memref<!tpu.dma_semaphore, #tpu.memory_space<semaphore_mem>>
      tpu.enqueue_indirect_dma source(%dma_start3A_913 : memref<1000000x64xf32, #tpu.memory_space<hbm>>) target(%dma_start3A_907 : memref<50x64xf32, #tpu.memory_space<vmem>>) offsets(%dma_start3A_910 : memref<50xi32, #tpu.memory_space<vmem>>) semaphore(%dma_start3A_915 : memref<!tpu.dma_semaphore, #tpu.memory_space<semaphore_mem>>)
      %mul3A_916 = arith.constant 16 : i32
      %mul3A_917 = arith.muli %add3A_761, %mul3A_916 : i32
      %add3A_918 = arith.constant 7 : i32
      %add3A_919 = arith.addi %mul3A_917, %add3A_918 : i32
      %dma_start3A_920 = arith.constant 7 : i32
      %dma_start3A_921 = arith.constant 0 : i32
      %dma_start3A_922 = arith.constant 0 : i32
      %dma_start3A_923 = arith.constant 0 : i32
      %dma_start3A_924 = tpu.memref_slice %arg6[%select_n3A_735, %dma_start3A_921, %dma_start3A_922, %dma_start3A_923] : memref<2x16x50x64xf32, #tpu.memory_space<vmem>> -> memref<1x16x50x64xf32, #tpu.memory_space<vmem>>
      %dma_start3A_925 = tpu.memref_squeeze %dma_start3A_924 : memref<1x16x50x64xf32, #tpu.memory_space<vmem>> -> memref<16x50x64xf32, #tpu.memory_space<vmem>>
      %dma_start3A_926 = arith.constant 0 : i32
      %dma_start3A_927 = arith.constant 0 : i32
      %dma_start3A_928 = tpu.memref_slice %dma_start3A_925[%dma_start3A_920, %dma_start3A_926, %dma_start3A_927] : memref<16x50x64xf32, #tpu.memory_space<vmem>> -> memref<1x50x64xf32, #tpu.memory_space<vmem>>
      %dma_start3A_929 = tpu.memref_squeeze %dma_start3A_928 : memref<1x50x64xf32, #tpu.memory_space<vmem>> -> memref<50x64xf32, #tpu.memory_space<vmem>>
      %dma_start3A_930 = arith.constant 0 : i32
      %dma_start3A_931 = tpu.memref_slice %arg5[%add3A_919, %dma_start3A_930] : memref<512x50xi32, #tpu.memory_space<vmem>> -> memref<1x50xi32, #tpu.memory_space<vmem>>
      %dma_start3A_932 = tpu.memref_squeeze %dma_start3A_931 : memref<1x50xi32, #tpu.memory_space<vmem>> -> memref<50xi32, #tpu.memory_space<vmem>>
      %dma_start3A_933 = arith.constant 0 : i32
      %dma_start3A_934 = arith.constant 0 : i32
      %dma_start3A_935 = tpu.memref_slice %arg2[%dma_start3A_933, %dma_start3A_934] : memref<1000000x64xf32, #tpu.memory_space<hbm>> -> memref<1000000x64xf32, #tpu.memory_space<hbm>>
      %dma_start3A_936 = tpu.memref_slice %arg7[%select_n3A_735] : memref<2x!tpu.dma_semaphore, #tpu.memory_space<semaphore_mem>> -> memref<1x!tpu.dma_semaphore, #tpu.memory_space<semaphore_mem>>
      %dma_start3A_937 = tpu.memref_squeeze %dma_start3A_936 : memref<1x!tpu.dma_semaphore, #tpu.memory_space<semaphore_mem>> -> memref<!tpu.dma_semaphore, #tpu.memory_space<semaphore_mem>>
      tpu.enqueue_indirect_dma source(%dma_start3A_935 : memref<1000000x64xf32, #tpu.memory_space<hbm>>) target(%dma_start3A_929 : memref<50x64xf32, #tpu.memory_space<vmem>>) offsets(%dma_start3A_932 : memref<50xi32, #tpu.memory_space<vmem>>) semaphore(%dma_start3A_937 : memref<!tpu.dma_semaphore, #tpu.memory_space<semaphore_mem>>)
      %mul3A_938 = arith.constant 16 : i32
      %mul3A_939 = arith.muli %add3A_761, %mul3A_938 : i32
      %add3A_940 = arith.constant 8 : i32
      %add3A_941 = arith.addi %mul3A_939, %add3A_940 : i32
      %dma_start3A_942 = arith.constant 8 : i32
      %dma_start3A_943 = arith.constant 0 : i32
      %dma_start3A_944 = arith.constant 0 : i32
      %dma_start3A_945 = arith.constant 0 : i32
      %dma_start3A_946 = tpu.memref_slice %arg6[%select_n3A_735, %dma_start3A_943, %dma_start3A_944, %dma_start3A_945] : memref<2x16x50x64xf32, #tpu.memory_space<vmem>> -> memref<1x16x50x64xf32, #tpu.memory_space<vmem>>
      %dma_start3A_947 = tpu.memref_squeeze %dma_start3A_946 : memref<1x16x50x64xf32, #tpu.memory_space<vmem>> -> memref<16x50x64xf32, #tpu.memory_space<vmem>>
      %dma_start3A_948 = arith.constant 0 : i32
      %dma_start3A_949 = arith.constant 0 : i32
      %dma_start3A_950 = tpu.memref_slice %dma_start3A_947[%dma_start3A_942, %dma_start3A_948, %dma_start3A_949] : memref<16x50x64xf32, #tpu.memory_space<vmem>> -> memref<1x50x64xf32, #tpu.memory_space<vmem>>
      %dma_start3A_951 = tpu.memref_squeeze %dma_start3A_950 : memref<1x50x64xf32, #tpu.memory_space<vmem>> -> memref<50x64xf32, #tpu.memory_space<vmem>>
      %dma_start3A_952 = arith.constant 0 : i32
      %dma_start3A_953 = tpu.memref_slice %arg5[%add3A_941, %dma_start3A_952] : memref<512x50xi32, #tpu.memory_space<vmem>> -> memref<1x50xi32, #tpu.memory_space<vmem>>
      %dma_start3A_954 = tpu.memref_squeeze %dma_start3A_953 : memref<1x50xi32, #tpu.memory_space<vmem>> -> memref<50xi32, #tpu.memory_space<vmem>>
      %dma_start3A_955 = arith.constant 0 : i32
      %dma_start3A_956 = arith.constant 0 : i32
      %dma_start3A_957 = tpu.memref_slice %arg2[%dma_start3A_955, %dma_start3A_956] : memref<1000000x64xf32, #tpu.memory_space<hbm>> -> memref<1000000x64xf32, #tpu.memory_space<hbm>>
      %dma_start3A_958 = tpu.memref_slice %arg7[%select_n3A_735] : memref<2x!tpu.dma_semaphore, #tpu.memory_space<semaphore_mem>> -> memref<1x!tpu.dma_semaphore, #tpu.memory_space<semaphore_mem>>
      %dma_start3A_959 = tpu.memref_squeeze %dma_start3A_958 : memref<1x!tpu.dma_semaphore, #tpu.memory_space<semaphore_mem>> -> memref<!tpu.dma_semaphore, #tpu.memory_space<semaphore_mem>>
      tpu.enqueue_indirect_dma source(%dma_start3A_957 : memref<1000000x64xf32, #tpu.memory_space<hbm>>) target(%dma_start3A_951 : memref<50x64xf32, #tpu.memory_space<vmem>>) offsets(%dma_start3A_954 : memref<50xi32, #tpu.memory_space<vmem>>) semaphore(%dma_start3A_959 : memref<!tpu.dma_semaphore, #tpu.memory_space<semaphore_mem>>)
      %mul3A_960 = arith.constant 16 : i32
      %mul3A_961 = arith.muli %add3A_761, %mul3A_960 : i32
      %add3A_962 = arith.constant 9 : i32
      %add3A_963 = arith.addi %mul3A_961, %add3A_962 : i32
      %dma_start3A_964 = arith.constant 9 : i32
      %dma_start3A_965 = arith.constant 0 : i32
      %dma_start3A_966 = arith.constant 0 : i32
      %dma_start3A_967 = arith.constant 0 : i32
      %dma_start3A_968 = tpu.memref_slice %arg6[%select_n3A_735, %dma_start3A_965, %dma_start3A_966, %dma_start3A_967] : memref<2x16x50x64xf32, #tpu.memory_space<vmem>> -> memref<1x16x50x64xf32, #tpu.memory_space<vmem>>
      %dma_start3A_969 = tpu.memref_squeeze %dma_start3A_968 : memref<1x16x50x64xf32, #tpu.memory_space<vmem>> -> memref<16x50x64xf32, #tpu.memory_space<vmem>>
      %dma_start3A_970 = arith.constant 0 : i32
      %dma_start3A_971 = arith.constant 0 : i32
      %dma_start3A_972 = tpu.memref_slice %dma_start3A_969[%dma_start3A_964, %dma_start3A_970, %dma_start3A_971] : memref<16x50x64xf32, #tpu.memory_space<vmem>> -> memref<1x50x64xf32, #tpu.memory_space<vmem>>
      %dma_start3A_973 = tpu.memref_squeeze %dma_start3A_972 : memref<1x50x64xf32, #tpu.memory_space<vmem>> -> memref<50x64xf32, #tpu.memory_space<vmem>>
      %dma_start3A_974 = arith.constant 0 : i32
      %dma_start3A_975 = tpu.memref_slice %arg5[%add3A_963, %dma_start3A_974] : memref<512x50xi32, #tpu.memory_space<vmem>> -> memref<1x50xi32, #tpu.memory_space<vmem>>
      %dma_start3A_976 = tpu.memref_squeeze %dma_start3A_975 : memref<1x50xi32, #tpu.memory_space<vmem>> -> memref<50xi32, #tpu.memory_space<vmem>>
      %dma_start3A_977 = arith.constant 0 : i32
      %dma_start3A_978 = arith.constant 0 : i32
      %dma_start3A_979 = tpu.memref_slice %arg2[%dma_start3A_977, %dma_start3A_978] : memref<1000000x64xf32, #tpu.memory_space<hbm>> -> memref<1000000x64xf32, #tpu.memory_space<hbm>>
      %dma_start3A_980 = tpu.memref_slice %arg7[%select_n3A_735] : memref<2x!tpu.dma_semaphore, #tpu.memory_space<semaphore_mem>> -> memref<1x!tpu.dma_semaphore, #tpu.memory_space<semaphore_mem>>
      %dma_start3A_981 = tpu.memref_squeeze %dma_start3A_980 : memref<1x!tpu.dma_semaphore, #tpu.memory_space<semaphore_mem>> -> memref<!tpu.dma_semaphore, #tpu.memory_space<semaphore_mem>>
      tpu.enqueue_indirect_dma source(%dma_start3A_979 : memref<1000000x64xf32, #tpu.memory_space<hbm>>) target(%dma_start3A_973 : memref<50x64xf32, #tpu.memory_space<vmem>>) offsets(%dma_start3A_976 : memref<50xi32, #tpu.memory_space<vmem>>) semaphore(%dma_start3A_981 : memref<!tpu.dma_semaphore, #tpu.memory_space<semaphore_mem>>)
      %mul3A_982 = arith.constant 16 : i32
      %mul3A_983 = arith.muli %add3A_761, %mul3A_982 : i32
      %add3A_984 = arith.constant 10 : i32
      %add3A_985 = arith.addi %mul3A_983, %add3A_984 : i32
      %dma_start3A_986 = arith.constant 10 : i32
      %dma_start3A_987 = arith.constant 0 : i32
      %dma_start3A_988 = arith.constant 0 : i32
      %dma_start3A_989 = arith.constant 0 : i32
      %dma_start3A_990 = tpu.memref_slice %arg6[%select_n3A_735, %dma_start3A_987, %dma_start3A_988, %dma_start3A_989] : memref<2x16x50x64xf32, #tpu.memory_space<vmem>> -> memref<1x16x50x64xf32, #tpu.memory_space<vmem>>
      %dma_start3A_991 = tpu.memref_squeeze %dma_start3A_990 : memref<1x16x50x64xf32, #tpu.memory_space<vmem>> -> memref<16x50x64xf32, #tpu.memory_space<vmem>>
      %dma_start3A_992 = arith.constant 0 : i32
      %dma_start3A_993 = arith.constant 0 : i32
      %dma_start3A_994 = tpu.memref_slice %dma_start3A_991[%dma_start3A_986, %dma_start3A_992, %dma_start3A_993] : memref<16x50x64xf32, #tpu.memory_space<vmem>> -> memref<1x50x64xf32, #tpu.memory_space<vmem>>
      %dma_start3A_995 = tpu.memref_squeeze %dma_start3A_994 : memref<1x50x64xf32, #tpu.memory_space<vmem>> -> memref<50x64xf32, #tpu.memory_space<vmem>>
      %dma_start3A_996 = arith.constant 0 : i32
      %dma_start3A_997 = tpu.memref_slice %arg5[%add3A_985, %dma_start3A_996] : memref<512x50xi32, #tpu.memory_space<vmem>> -> memref<1x50xi32, #tpu.memory_space<vmem>>
      %dma_start3A_998 = tpu.memref_squeeze %dma_start3A_997 : memref<1x50xi32, #tpu.memory_space<vmem>> -> memref<50xi32, #tpu.memory_space<vmem>>
      %dma_start3A_999 = arith.constant 0 : i32
      %dma_start3A_1000 = arith.constant 0 : i32
      %dma_start3A_1001 = tpu.memref_slice %arg2[%dma_start3A_999, %dma_start3A_1000] : memref<1000000x64xf32, #tpu.memory_space<hbm>> -> memref<1000000x64xf32, #tpu.memory_space<hbm>>
      %dma_start3A_1002 = tpu.memref_slice %arg7[%select_n3A_735] : memref<2x!tpu.dma_semaphore, #tpu.memory_space<semaphore_mem>> -> memref<1x!tpu.dma_semaphore, #tpu.memory_space<semaphore_mem>>
      %dma_start3A_1003 = tpu.memref_squeeze %dma_start3A_1002 : memref<1x!tpu.dma_semaphore, #tpu.memory_space<semaphore_mem>> -> memref<!tpu.dma_semaphore, #tpu.memory_space<semaphore_mem>>
      tpu.enqueue_indirect_dma source(%dma_start3A_1001 : memref<1000000x64xf32, #tpu.memory_space<hbm>>) target(%dma_start3A_995 : memref<50x64xf32, #tpu.memory_space<vmem>>) offsets(%dma_start3A_998 : memref<50xi32, #tpu.memory_space<vmem>>) semaphore(%dma_start3A_1003 : memref<!tpu.dma_semaphore, #tpu.memory_space<semaphore_mem>>)
      %mul3A_1004 = arith.constant 16 : i32
      %mul3A_1005 = arith.muli %add3A_761, %mul3A_1004 : i32
      %add3A_1006 = arith.constant 11 : i32
      %add3A_1007 = arith.addi %mul3A_1005, %add3A_1006 : i32
      %dma_start3A_1008 = arith.constant 11 : i32
      %dma_start3A_1009 = arith.constant 0 : i32
      %dma_start3A_1010 = arith.constant 0 : i32
      %dma_start3A_1011 = arith.constant 0 : i32
      %dma_start3A_1012 = tpu.memref_slice %arg6[%select_n3A_735, %dma_start3A_1009, %dma_start3A_1010, %dma_start3A_1011] : memref<2x16x50x64xf32, #tpu.memory_space<vmem>> -> memref<1x16x50x64xf32, #tpu.memory_space<vmem>>
      %dma_start3A_1013 = tpu.memref_squeeze %dma_start3A_1012 : memref<1x16x50x64xf32, #tpu.memory_space<vmem>> -> memref<16x50x64xf32, #tpu.memory_space<vmem>>
      %dma_start3A_1014 = arith.constant 0 : i32
      %dma_start3A_1015 = arith.constant 0 : i32
      %dma_start3A_1016 = tpu.memref_slice %dma_start3A_1013[%dma_start3A_1008, %dma_start3A_1014, %dma_start3A_1015] : memref<16x50x64xf32, #tpu.memory_space<vmem>> -> memref<1x50x64xf32, #tpu.memory_space<vmem>>
      %dma_start3A_1017 = tpu.memref_squeeze %dma_start3A_1016 : memref<1x50x64xf32, #tpu.memory_space<vmem>> -> memref<50x64xf32, #tpu.memory_space<vmem>>
      %dma_start3A_1018 = arith.constant 0 : i32
      %dma_start3A_1019 = tpu.memref_slice %arg5[%add3A_1007, %dma_start3A_1018] : memref<512x50xi32, #tpu.memory_space<vmem>> -> memref<1x50xi32, #tpu.memory_space<vmem>>
      %dma_start3A_1020 = tpu.memref_squeeze %dma_start3A_1019 : memref<1x50xi32, #tpu.memory_space<vmem>> -> memref<50xi32, #tpu.memory_space<vmem>>
      %dma_start3A_1021 = arith.constant 0 : i32
      %dma_start3A_1022 = arith.constant 0 : i32
      %dma_start3A_1023 = tpu.memref_slice %arg2[%dma_start3A_1021, %dma_start3A_1022] : memref<1000000x64xf32, #tpu.memory_space<hbm>> -> memref<1000000x64xf32, #tpu.memory_space<hbm>>
      %dma_start3A_1024 = tpu.memref_slice %arg7[%select_n3A_735] : memref<2x!tpu.dma_semaphore, #tpu.memory_space<semaphore_mem>> -> memref<1x!tpu.dma_semaphore, #tpu.memory_space<semaphore_mem>>
      %dma_start3A_1025 = tpu.memref_squeeze %dma_start3A_1024 : memref<1x!tpu.dma_semaphore, #tpu.memory_space<semaphore_mem>> -> memref<!tpu.dma_semaphore, #tpu.memory_space<semaphore_mem>>
      tpu.enqueue_indirect_dma source(%dma_start3A_1023 : memref<1000000x64xf32, #tpu.memory_space<hbm>>) target(%dma_start3A_1017 : memref<50x64xf32, #tpu.memory_space<vmem>>) offsets(%dma_start3A_1020 : memref<50xi32, #tpu.memory_space<vmem>>) semaphore(%dma_start3A_1025 : memref<!tpu.dma_semaphore, #tpu.memory_space<semaphore_mem>>)
      %mul3A_1026 = arith.constant 16 : i32
      %mul3A_1027 = arith.muli %add3A_761, %mul3A_1026 : i32
      %add3A_1028 = arith.constant 12 : i32
      %add3A_1029 = arith.addi %mul3A_1027, %add3A_1028 : i32
      %dma_start3A_1030 = arith.constant 12 : i32
      %dma_start3A_1031 = arith.constant 0 : i32
      %dma_start3A_1032 = arith.constant 0 : i32
      %dma_start3A_1033 = arith.constant 0 : i32
      %dma_start3A_1034 = tpu.memref_slice %arg6[%select_n3A_735, %dma_start3A_1031, %dma_start3A_1032, %dma_start3A_1033] : memref<2x16x50x64xf32, #tpu.memory_space<vmem>> -> memref<1x16x50x64xf32, #tpu.memory_space<vmem>>
      %dma_start3A_1035 = tpu.memref_squeeze %dma_start3A_1034 : memref<1x16x50x64xf32, #tpu.memory_space<vmem>> -> memref<16x50x64xf32, #tpu.memory_space<vmem>>
      %dma_start3A_1036 = arith.constant 0 : i32
      %dma_start3A_1037 = arith.constant 0 : i32
      %dma_start3A_1038 = tpu.memref_slice %dma_start3A_1035[%dma_start3A_1030, %dma_start3A_1036, %dma_start3A_1037] : memref<16x50x64xf32, #tpu.memory_space<vmem>> -> memref<1x50x64xf32, #tpu.memory_space<vmem>>
      %dma_start3A_1039 = tpu.memref_squeeze %dma_start3A_1038 : memref<1x50x64xf32, #tpu.memory_space<vmem>> -> memref<50x64xf32, #tpu.memory_space<vmem>>
      %dma_start3A_1040 = arith.constant 0 : i32
      %dma_start3A_1041 = tpu.memref_slice %arg5[%add3A_1029, %dma_start3A_1040] : memref<512x50xi32, #tpu.memory_space<vmem>> -> memref<1x50xi32, #tpu.memory_space<vmem>>
      %dma_start3A_1042 = tpu.memref_squeeze %dma_start3A_1041 : memref<1x50xi32, #tpu.memory_space<vmem>> -> memref<50xi32, #tpu.memory_space<vmem>>
      %dma_start3A_1043 = arith.constant 0 : i32
      %dma_start3A_1044 = arith.constant 0 : i32
      %dma_start3A_1045 = tpu.memref_slice %arg2[%dma_start3A_1043, %dma_start3A_1044] : memref<1000000x64xf32, #tpu.memory_space<hbm>> -> memref<1000000x64xf32, #tpu.memory_space<hbm>>
      %dma_start3A_1046 = tpu.memref_slice %arg7[%select_n3A_735] : memref<2x!tpu.dma_semaphore, #tpu.memory_space<semaphore_mem>> -> memref<1x!tpu.dma_semaphore, #tpu.memory_space<semaphore_mem>>
      %dma_start3A_1047 = tpu.memref_squeeze %dma_start3A_1046 : memref<1x!tpu.dma_semaphore, #tpu.memory_space<semaphore_mem>> -> memref<!tpu.dma_semaphore, #tpu.memory_space<semaphore_mem>>
      tpu.enqueue_indirect_dma source(%dma_start3A_1045 : memref<1000000x64xf32, #tpu.memory_space<hbm>>) target(%dma_start3A_1039 : memref<50x64xf32, #tpu.memory_space<vmem>>) offsets(%dma_start3A_1042 : memref<50xi32, #tpu.memory_space<vmem>>) semaphore(%dma_start3A_1047 : memref<!tpu.dma_semaphore, #tpu.memory_space<semaphore_mem>>)
      %mul3A_1048 = arith.constant 16 : i32
      %mul3A_1049 = arith.muli %add3A_761, %mul3A_1048 : i32
      %add3A_1050 = arith.constant 13 : i32
      %add3A_1051 = arith.addi %mul3A_1049, %add3A_1050 : i32
      %dma_start3A_1052 = arith.constant 13 : i32
      %dma_start3A_1053 = arith.constant 0 : i32
      %dma_start3A_1054 = arith.constant 0 : i32
      %dma_start3A_1055 = arith.constant 0 : i32
      %dma_start3A_1056 = tpu.memref_slice %arg6[%select_n3A_735, %dma_start3A_1053, %dma_start3A_1054, %dma_start3A_1055] : memref<2x16x50x64xf32, #tpu.memory_space<vmem>> -> memref<1x16x50x64xf32, #tpu.memory_space<vmem>>
      %dma_start3A_1057 = tpu.memref_squeeze %dma_start3A_1056 : memref<1x16x50x64xf32, #tpu.memory_space<vmem>> -> memref<16x50x64xf32, #tpu.memory_space<vmem>>
      %dma_start3A_1058 = arith.constant 0 : i32
      %dma_start3A_1059 = arith.constant 0 : i32
      %dma_start3A_1060 = tpu.memref_slice %dma_start3A_1057[%dma_start3A_1052, %dma_start3A_1058, %dma_start3A_1059] : memref<16x50x64xf32, #tpu.memory_space<vmem>> -> memref<1x50x64xf32, #tpu.memory_space<vmem>>
      %dma_start3A_1061 = tpu.memref_squeeze %dma_start3A_1060 : memref<1x50x64xf32, #tpu.memory_space<vmem>> -> memref<50x64xf32, #tpu.memory_space<vmem>>
      %dma_start3A_1062 = arith.constant 0 : i32
      %dma_start3A_1063 = tpu.memref_slice %arg5[%add3A_1051, %dma_start3A_1062] : memref<512x50xi32, #tpu.memory_space<vmem>> -> memref<1x50xi32, #tpu.memory_space<vmem>>
      %dma_start3A_1064 = tpu.memref_squeeze %dma_start3A_1063 : memref<1x50xi32, #tpu.memory_space<vmem>> -> memref<50xi32, #tpu.memory_space<vmem>>
      %dma_start3A_1065 = arith.constant 0 : i32
      %dma_start3A_1066 = arith.constant 0 : i32
      %dma_start3A_1067 = tpu.memref_slice %arg2[%dma_start3A_1065, %dma_start3A_1066] : memref<1000000x64xf32, #tpu.memory_space<hbm>> -> memref<1000000x64xf32, #tpu.memory_space<hbm>>
      %dma_start3A_1068 = tpu.memref_slice %arg7[%select_n3A_735] : memref<2x!tpu.dma_semaphore, #tpu.memory_space<semaphore_mem>> -> memref<1x!tpu.dma_semaphore, #tpu.memory_space<semaphore_mem>>
      %dma_start3A_1069 = tpu.memref_squeeze %dma_start3A_1068 : memref<1x!tpu.dma_semaphore, #tpu.memory_space<semaphore_mem>> -> memref<!tpu.dma_semaphore, #tpu.memory_space<semaphore_mem>>
      tpu.enqueue_indirect_dma source(%dma_start3A_1067 : memref<1000000x64xf32, #tpu.memory_space<hbm>>) target(%dma_start3A_1061 : memref<50x64xf32, #tpu.memory_space<vmem>>) offsets(%dma_start3A_1064 : memref<50xi32, #tpu.memory_space<vmem>>) semaphore(%dma_start3A_1069 : memref<!tpu.dma_semaphore, #tpu.memory_space<semaphore_mem>>)
      %mul3A_1070 = arith.constant 16 : i32
      %mul3A_1071 = arith.muli %add3A_761, %mul3A_1070 : i32
      %add3A_1072 = arith.constant 14 : i32
      %add3A_1073 = arith.addi %mul3A_1071, %add3A_1072 : i32
      %dma_start3A_1074 = arith.constant 14 : i32
      %dma_start3A_1075 = arith.constant 0 : i32
      %dma_start3A_1076 = arith.constant 0 : i32
      %dma_start3A_1077 = arith.constant 0 : i32
      %dma_start3A_1078 = tpu.memref_slice %arg6[%select_n3A_735, %dma_start3A_1075, %dma_start3A_1076, %dma_start3A_1077] : memref<2x16x50x64xf32, #tpu.memory_space<vmem>> -> memref<1x16x50x64xf32, #tpu.memory_space<vmem>>
      %dma_start3A_1079 = tpu.memref_squeeze %dma_start3A_1078 : memref<1x16x50x64xf32, #tpu.memory_space<vmem>> -> memref<16x50x64xf32, #tpu.memory_space<vmem>>
      %dma_start3A_1080 = arith.constant 0 : i32
      %dma_start3A_1081 = arith.constant 0 : i32
      %dma_start3A_1082 = tpu.memref_slice %dma_start3A_1079[%dma_start3A_1074, %dma_start3A_1080, %dma_start3A_1081] : memref<16x50x64xf32, #tpu.memory_space<vmem>> -> memref<1x50x64xf32, #tpu.memory_space<vmem>>
      %dma_start3A_1083 = tpu.memref_squeeze %dma_start3A_1082 : memref<1x50x64xf32, #tpu.memory_space<vmem>> -> memref<50x64xf32, #tpu.memory_space<vmem>>
      %dma_start3A_1084 = arith.constant 0 : i32
      %dma_start3A_1085 = tpu.memref_slice %arg5[%add3A_1073, %dma_start3A_1084] : memref<512x50xi32, #tpu.memory_space<vmem>> -> memref<1x50xi32, #tpu.memory_space<vmem>>
      %dma_start3A_1086 = tpu.memref_squeeze %dma_start3A_1085 : memref<1x50xi32, #tpu.memory_space<vmem>> -> memref<50xi32, #tpu.memory_space<vmem>>
      %dma_start3A_1087 = arith.constant 0 : i32
      %dma_start3A_1088 = arith.constant 0 : i32
      %dma_start3A_1089 = tpu.memref_slice %arg2[%dma_start3A_1087, %dma_start3A_1088] : memref<1000000x64xf32, #tpu.memory_space<hbm>> -> memref<1000000x64xf32, #tpu.memory_space<hbm>>
      %dma_start3A_1090 = tpu.memref_slice %arg7[%select_n3A_735] : memref<2x!tpu.dma_semaphore, #tpu.memory_space<semaphore_mem>> -> memref<1x!tpu.dma_semaphore, #tpu.memory_space<semaphore_mem>>
      %dma_start3A_1091 = tpu.memref_squeeze %dma_start3A_1090 : memref<1x!tpu.dma_semaphore, #tpu.memory_space<semaphore_mem>> -> memref<!tpu.dma_semaphore, #tpu.memory_space<semaphore_mem>>
      tpu.enqueue_indirect_dma source(%dma_start3A_1089 : memref<1000000x64xf32, #tpu.memory_space<hbm>>) target(%dma_start3A_1083 : memref<50x64xf32, #tpu.memory_space<vmem>>) offsets(%dma_start3A_1086 : memref<50xi32, #tpu.memory_space<vmem>>) semaphore(%dma_start3A_1091 : memref<!tpu.dma_semaphore, #tpu.memory_space<semaphore_mem>>)
      %mul3A_1092 = arith.constant 16 : i32
      %mul3A_1093 = arith.muli %add3A_761, %mul3A_1092 : i32
      %add3A_1094 = arith.constant 15 : i32
      %add3A_1095 = arith.addi %mul3A_1093, %add3A_1094 : i32
      %dma_start3A_1096 = arith.constant 15 : i32
      %dma_start3A_1097 = arith.constant 0 : i32
      %dma_start3A_1098 = arith.constant 0 : i32
      %dma_start3A_1099 = arith.constant 0 : i32
      %dma_start3A_1100 = tpu.memref_slice %arg6[%select_n3A_735, %dma_start3A_1097, %dma_start3A_1098, %dma_start3A_1099] : memref<2x16x50x64xf32, #tpu.memory_space<vmem>> -> memref<1x16x50x64xf32, #tpu.memory_space<vmem>>
      %dma_start3A_1101 = tpu.memref_squeeze %dma_start3A_1100 : memref<1x16x50x64xf32, #tpu.memory_space<vmem>> -> memref<16x50x64xf32, #tpu.memory_space<vmem>>
      %dma_start3A_1102 = arith.constant 0 : i32
      %dma_start3A_1103 = arith.constant 0 : i32
      %dma_start3A_1104 = tpu.memref_slice %dma_start3A_1101[%dma_start3A_1096, %dma_start3A_1102, %dma_start3A_1103] : memref<16x50x64xf32, #tpu.memory_space<vmem>> -> memref<1x50x64xf32, #tpu.memory_space<vmem>>
      %dma_start3A_1105 = tpu.memref_squeeze %dma_start3A_1104 : memref<1x50x64xf32, #tpu.memory_space<vmem>> -> memref<50x64xf32, #tpu.memory_space<vmem>>
      %dma_start3A_1106 = arith.constant 0 : i32
      %dma_start3A_1107 = tpu.memref_slice %arg5[%add3A_1095, %dma_start3A_1106] : memref<512x50xi32, #tpu.memory_space<vmem>> -> memref<1x50xi32, #tpu.memory_space<vmem>>
      %dma_start3A_1108 = tpu.memref_squeeze %dma_start3A_1107 : memref<1x50xi32, #tpu.memory_space<vmem>> -> memref<50xi32, #tpu.memory_space<vmem>>
      %dma_start3A_1109 = arith.constant 0 : i32
      %dma_start3A_1110 = arith.constant 0 : i32
      %dma_start3A_1111 = tpu.memref_slice %arg2[%dma_start3A_1109, %dma_start3A_1110] : memref<1000000x64xf32, #tpu.memory_space<hbm>> -> memref<1000000x64xf32, #tpu.memory_space<hbm>>
      %dma_start3A_1112 = tpu.memref_slice %arg7[%select_n3A_735] : memref<2x!tpu.dma_semaphore, #tpu.memory_space<semaphore_mem>> -> memref<1x!tpu.dma_semaphore, #tpu.memory_space<semaphore_mem>>
      %dma_start3A_1113 = tpu.memref_squeeze %dma_start3A_1112 : memref<1x!tpu.dma_semaphore, #tpu.memory_space<semaphore_mem>> -> memref<!tpu.dma_semaphore, #tpu.memory_space<semaphore_mem>>
      tpu.enqueue_indirect_dma source(%dma_start3A_1111 : memref<1000000x64xf32, #tpu.memory_space<hbm>>) target(%dma_start3A_1105 : memref<50x64xf32, #tpu.memory_space<vmem>>) offsets(%dma_start3A_1108 : memref<50xi32, #tpu.memory_space<vmem>>) semaphore(%dma_start3A_1113 : memref<!tpu.dma_semaphore, #tpu.memory_space<semaphore_mem>>)
    }
    %scan3A_677 = arith.constant 30 : i32
    %add3A_678 = arith.constant 480 : i32
    %add3A_679 = arith.addi %mul3A_2, %add3A_678 : i32
    %dma_wait3A = arith.constant 0 : i32
    %dma_wait3A_680 = arith.constant 0 : i32
    %dma_wait3A_681 = arith.constant 0 : i32
    %dma_wait3A_682 = arith.constant 0 : i32
    %dma_wait3A_683 = arith.constant 0 : i32
    %dma_wait3A_684 = tpu.memref_slice %arg6[%dma_wait3A, %dma_wait3A_681, %dma_wait3A_682, %dma_wait3A_683] : memref<2x16x50x64xf32, #tpu.memory_space<vmem>> -> memref<1x16x50x64xf32, #tpu.memory_space<vmem>>
    %dma_wait3A_685 = tpu.memref_squeeze %dma_wait3A_684 : memref<1x16x50x64xf32, #tpu.memory_space<vmem>> -> memref<16x50x64xf32, #tpu.memory_space<vmem>>
    %dma_wait3A_686 = arith.constant 0 : i32
    %dma_wait3A_687 = arith.constant 0 : i32
    %dma_wait3A_688 = tpu.memref_slice %arg4[%add3A_679, %dma_wait3A_686, %dma_wait3A_687] : memref<16384x50x64xf32, #tpu.memory_space<hbm>> -> memref<16x50x64xf32, #tpu.memory_space<hbm>>
    %dma_wait3A_689 = tpu.memref_slice %arg7[%dma_wait3A_680] : memref<2x!tpu.dma_semaphore, #tpu.memory_space<semaphore_mem>> -> memref<1x!tpu.dma_semaphore, #tpu.memory_space<semaphore_mem>>
    %dma_wait3A_690 = tpu.memref_squeeze %dma_wait3A_689 : memref<1x!tpu.dma_semaphore, #tpu.memory_space<semaphore_mem>> -> memref<!tpu.dma_semaphore, #tpu.memory_space<semaphore_mem>>
    %dma_wait3A_691 = arith.constant 0 : i32
    %dma_wait3A_692 = arith.constant 0 : i32
    %dma_wait3A_693 = arith.constant 0 : i32
    %dma_wait3A_694 = tpu.memref_slice %arg6[%dma_wait3A, %dma_wait3A_691, %dma_wait3A_692, %dma_wait3A_693] : memref<2x16x50x64xf32, #tpu.memory_space<vmem>> -> memref<1x16x50x64xf32, #tpu.memory_space<vmem>>
    %dma_wait3A_695 = tpu.memref_squeeze %dma_wait3A_694 : memref<1x16x50x64xf32, #tpu.memory_space<vmem>> -> memref<16x50x64xf32, #tpu.memory_space<vmem>>
    %dma_wait3A_696 = arith.constant 0 : i32
    %dma_wait3A_697 = arith.constant 0 : i32
    %dma_wait3A_698 = tpu.memref_slice %arg4[%add3A_679, %dma_wait3A_696, %dma_wait3A_697] : memref<16384x50x64xf32, #tpu.memory_space<hbm>> -> memref<16x50x64xf32, #tpu.memory_space<hbm>>
    tpu.wait_dma2 semaphore(%dma_wait3A_690 : memref<!tpu.dma_semaphore, #tpu.memory_space<semaphore_mem>>) src(%dma_wait3A_698 : memref<16x50x64xf32, #tpu.memory_space<hbm>>) dst(%dma_wait3A_695 : memref<16x50x64xf32, #tpu.memory_space<vmem>>)
    %add3A_699 = arith.constant 480 : i32
    %add3A_700 = arith.addi %mul3A_2, %add3A_699 : i32
    %run_scoped3A = arith.constant 0 : i32
    "tpu.region"() ({
      %run_scoped3A_726 = tpu.sem_alloc : memref<!tpu.dma_semaphore, #tpu.memory_space<semaphore_mem>>
      %dma_start3A_727 = arith.constant 0 : i32
      %dma_start3A_728 = arith.constant 0 : i32
      %dma_start3A_729 = arith.constant 0 : i32
      %dma_start3A_730 = tpu.memref_slice %arg6[%run_scoped3A, %dma_start3A_727, %dma_start3A_728, %dma_start3A_729] : memref<2x16x50x64xf32, #tpu.memory_space<vmem>> -> memref<1x16x50x64xf32, #tpu.memory_space<vmem>>
      %dma_start3A_731 = tpu.memref_squeeze %dma_start3A_730 : memref<1x16x50x64xf32, #tpu.memory_space<vmem>> -> memref<16x50x64xf32, #tpu.memory_space<vmem>>
      %dma_start3A_732 = arith.constant 0 : i32
      %dma_start3A_733 = arith.constant 0 : i32
      %dma_start3A_734 = tpu.memref_slice %arg4[%add3A_700, %dma_start3A_732, %dma_start3A_733] : memref<16384x50x64xf32, #tpu.memory_space<hbm>> -> memref<16x50x64xf32, #tpu.memory_space<hbm>>
      %dma_start3A_735 = arith.constant 0 : i32
      %dma_start3A_736 = arith.constant 0 : i32
      %dma_start3A_737 = tpu.memref_slice %arg4[%add3A_700, %dma_start3A_735, %dma_start3A_736] : memref<16384x50x64xf32, #tpu.memory_space<hbm>> -> memref<16x50x64xf32, #tpu.memory_space<hbm>>
      %dma_start3A_738 = arith.constant 0 : i32
      %dma_start3A_739 = arith.constant 0 : i32
      %dma_start3A_740 = arith.constant 0 : i32
      %dma_start3A_741 = tpu.memref_slice %arg6[%run_scoped3A, %dma_start3A_738, %dma_start3A_739, %dma_start3A_740] : memref<2x16x50x64xf32, #tpu.memory_space<vmem>> -> memref<1x16x50x64xf32, #tpu.memory_space<vmem>>
      %dma_start3A_742 = tpu.memref_squeeze %dma_start3A_741 : memref<1x16x50x64xf32, #tpu.memory_space<vmem>> -> memref<16x50x64xf32, #tpu.memory_space<vmem>>
      tpu.enqueue_dma source(%dma_start3A_742 : memref<16x50x64xf32, #tpu.memory_space<vmem>>) target(%dma_start3A_737 : memref<16x50x64xf32, #tpu.memory_space<hbm>>) target_semaphore(%run_scoped3A_726 : memref<!tpu.dma_semaphore, #tpu.memory_space<semaphore_mem>>)
      %dma_wait3A_743 = arith.constant 0 : i32
      %dma_wait3A_744 = arith.constant 0 : i32
      %dma_wait3A_745 = arith.constant 0 : i32
      %dma_wait3A_746 = tpu.memref_slice %arg6[%run_scoped3A, %dma_wait3A_743, %dma_wait3A_744, %dma_wait3A_745] : memref<2x16x50x64xf32, #tpu.memory_space<vmem>> -> memref<1x16x50x64xf32, #tpu.memory_space<vmem>>
      %dma_wait3A_747 = tpu.memref_squeeze %dma_wait3A_746 : memref<1x16x50x64xf32, #tpu.memory_space<vmem>> -> memref<16x50x64xf32, #tpu.memory_space<vmem>>
      %dma_wait3A_748 = arith.constant 0 : i32
      %dma_wait3A_749 = arith.constant 0 : i32
      %dma_wait3A_750 = tpu.memref_slice %arg4[%add3A_700, %dma_wait3A_748, %dma_wait3A_749] : memref<16384x50x64xf32, #tpu.memory_space<hbm>> -> memref<16x50x64xf32, #tpu.memory_space<hbm>>
      %dma_wait3A_751 = arith.constant 0 : i32
      %dma_wait3A_752 = arith.constant 0 : i32
      %dma_wait3A_753 = tpu.memref_slice %arg4[%add3A_700, %dma_wait3A_751, %dma_wait3A_752] : memref<16384x50x64xf32, #tpu.memory_space<hbm>> -> memref<16x50x64xf32, #tpu.memory_space<hbm>>
      %dma_wait3A_754 = arith.constant 0 : i32
      %dma_wait3A_755 = arith.constant 0 : i32
      %dma_wait3A_756 = arith.constant 0 : i32
      %dma_wait3A_757 = tpu.memref_slice %arg6[%run_scoped3A, %dma_wait3A_754, %dma_wait3A_755, %dma_wait3A_756] : memref<2x16x50x64xf32, #tpu.memory_space<vmem>> -> memref<1x16x50x64xf32, #tpu.memory_space<vmem>>
      %dma_wait3A_758 = tpu.memref_squeeze %dma_wait3A_757 : memref<1x16x50x64xf32, #tpu.memory_space<vmem>> -> memref<16x50x64xf32, #tpu.memory_space<vmem>>
      tpu.wait_dma2 semaphore(%run_scoped3A_726 : memref<!tpu.dma_semaphore, #tpu.memory_space<semaphore_mem>>) src(%dma_wait3A_758 : memref<16x50x64xf32, #tpu.memory_space<vmem>>) dst(%dma_wait3A_753 : memref<16x50x64xf32, #tpu.memory_space<hbm>>)
      tpu.yield
    }) : () -> ()
    %add3A_701 = arith.constant 496 : i32
    %add3A_702 = arith.addi %mul3A_2, %add3A_701 : i32
    %dma_wait3A_703 = arith.constant 1 : i32
    %dma_wait3A_704 = arith.constant 1 : i32
    %dma_wait3A_705 = arith.constant 0 : i32
    %dma_wait3A_706 = arith.constant 0 : i32
    %dma_wait3A_707 = arith.constant 0 : i32
    %dma_wait3A_708 = tpu.memref_slice %arg6[%dma_wait3A_703, %dma_wait3A_705, %dma_wait3A_706, %dma_wait3A_707] : memref<2x16x50x64xf32, #tpu.memory_space<vmem>> -> memref<1x16x50x64xf32, #tpu.memory_space<vmem>>
    %dma_wait3A_709 = tpu.memref_squeeze %dma_wait3A_708 : memref<1x16x50x64xf32, #tpu.memory_space<vmem>> -> memref<16x50x64xf32, #tpu.memory_space<vmem>>
    %dma_wait3A_710 = arith.constant 0 : i32
    %dma_wait3A_711 = arith.constant 0 : i32
    %dma_wait3A_712 = tpu.memref_slice %arg4[%add3A_702, %dma_wait3A_710, %dma_wait3A_711] : memref<16384x50x64xf32, #tpu.memory_space<hbm>> -> memref<16x50x64xf32, #tpu.memory_space<hbm>>
    %dma_wait3A_713 = tpu.memref_slice %arg7[%dma_wait3A_704] : memref<2x!tpu.dma_semaphore, #tpu.memory_space<semaphore_mem>> -> memref<1x!tpu.dma_semaphore, #tpu.memory_space<semaphore_mem>>
    %dma_wait3A_714 = tpu.memref_squeeze %dma_wait3A_713 : memref<1x!tpu.dma_semaphore, #tpu.memory_space<semaphore_mem>> -> memref<!tpu.dma_semaphore, #tpu.memory_space<semaphore_mem>>
    %dma_wait3A_715 = arith.constant 0 : i32
    %dma_wait3A_716 = arith.constant 0 : i32
    %dma_wait3A_717 = arith.constant 0 : i32
    %dma_wait3A_718 = tpu.memref_slice %arg6[%dma_wait3A_703, %dma_wait3A_715, %dma_wait3A_716, %dma_wait3A_717] : memref<2x16x50x64xf32, #tpu.memory_space<vmem>> -> memref<1x16x50x64xf32, #tpu.memory_space<vmem>>
    %dma_wait3A_719 = tpu.memref_squeeze %dma_wait3A_718 : memref<1x16x50x64xf32, #tpu.memory_space<vmem>> -> memref<16x50x64xf32, #tpu.memory_space<vmem>>
    %dma_wait3A_720 = arith.constant 0 : i32
    %dma_wait3A_721 = arith.constant 0 : i32
    %dma_wait3A_722 = tpu.memref_slice %arg4[%add3A_702, %dma_wait3A_720, %dma_wait3A_721] : memref<16384x50x64xf32, #tpu.memory_space<hbm>> -> memref<16x50x64xf32, #tpu.memory_space<hbm>>
    tpu.wait_dma2 semaphore(%dma_wait3A_714 : memref<!tpu.dma_semaphore, #tpu.memory_space<semaphore_mem>>) src(%dma_wait3A_722 : memref<16x50x64xf32, #tpu.memory_space<hbm>>) dst(%dma_wait3A_719 : memref<16x50x64xf32, #tpu.memory_space<vmem>>)
    %add3A_723 = arith.constant 496 : i32
    %add3A_724 = arith.addi %mul3A_2, %add3A_723 : i32
    %run_scoped3A_725 = arith.constant 1 : i32
    "tpu.region"() ({
      %run_scoped3A_726 = tpu.sem_alloc : memref<!tpu.dma_semaphore, #tpu.memory_space<semaphore_mem>>
      %dma_start3A_727 = arith.constant 0 : i32
      %dma_start3A_728 = arith.constant 0 : i32
      %dma_start3A_729 = arith.constant 0 : i32
      %dma_start3A_730 = tpu.memref_slice %arg6[%run_scoped3A_725, %dma_start3A_727, %dma_start3A_728, %dma_start3A_729] : memref<2x16x50x64xf32, #tpu.memory_space<vmem>> -> memref<1x16x50x64xf32, #tpu.memory_space<vmem>>
      %dma_start3A_731 = tpu.memref_squeeze %dma_start3A_730 : memref<1x16x50x64xf32, #tpu.memory_space<vmem>> -> memref<16x50x64xf32, #tpu.memory_space<vmem>>
      %dma_start3A_732 = arith.constant 0 : i32
      %dma_start3A_733 = arith.constant 0 : i32
      %dma_start3A_734 = tpu.memref_slice %arg4[%add3A_724, %dma_start3A_732, %dma_start3A_733] : memref<16384x50x64xf32, #tpu.memory_space<hbm>> -> memref<16x50x64xf32, #tpu.memory_space<hbm>>
      %dma_start3A_735 = arith.constant 0 : i32
      %dma_start3A_736 = arith.constant 0 : i32
      %dma_start3A_737 = tpu.memref_slice %arg4[%add3A_724, %dma_start3A_735, %dma_start3A_736] : memref<16384x50x64xf32, #tpu.memory_space<hbm>> -> memref<16x50x64xf32, #tpu.memory_space<hbm>>
      %dma_start3A_738 = arith.constant 0 : i32
      %dma_start3A_739 = arith.constant 0 : i32
      %dma_start3A_740 = arith.constant 0 : i32
      %dma_start3A_741 = tpu.memref_slice %arg6[%run_scoped3A_725, %dma_start3A_738, %dma_start3A_739, %dma_start3A_740] : memref<2x16x50x64xf32, #tpu.memory_space<vmem>> -> memref<1x16x50x64xf32, #tpu.memory_space<vmem>>
      %dma_start3A_742 = tpu.memref_squeeze %dma_start3A_741 : memref<1x16x50x64xf32, #tpu.memory_space<vmem>> -> memref<16x50x64xf32, #tpu.memory_space<vmem>>
      tpu.enqueue_dma source(%dma_start3A_742 : memref<16x50x64xf32, #tpu.memory_space<vmem>>) target(%dma_start3A_737 : memref<16x50x64xf32, #tpu.memory_space<hbm>>) target_semaphore(%run_scoped3A_726 : memref<!tpu.dma_semaphore, #tpu.memory_space<semaphore_mem>>)
      %dma_wait3A_743 = arith.constant 0 : i32
      %dma_wait3A_744 = arith.constant 0 : i32
      %dma_wait3A_745 = arith.constant 0 : i32
      %dma_wait3A_746 = tpu.memref_slice %arg6[%run_scoped3A_725, %dma_wait3A_743, %dma_wait3A_744, %dma_wait3A_745] : memref<2x16x50x64xf32, #tpu.memory_space<vmem>> -> memref<1x16x50x64xf32, #tpu.memory_space<vmem>>
      %dma_wait3A_747 = tpu.memref_squeeze %dma_wait3A_746 : memref<1x16x50x64xf32, #tpu.memory_space<vmem>> -> memref<16x50x64xf32, #tpu.memory_space<vmem>>
      %dma_wait3A_748 = arith.constant 0 : i32
      %dma_wait3A_749 = arith.constant 0 : i32
      %dma_wait3A_750 = tpu.memref_slice %arg4[%add3A_724, %dma_wait3A_748, %dma_wait3A_749] : memref<16384x50x64xf32, #tpu.memory_space<hbm>> -> memref<16x50x64xf32, #tpu.memory_space<hbm>>
      %dma_wait3A_751 = arith.constant 0 : i32
      %dma_wait3A_752 = arith.constant 0 : i32
      %dma_wait3A_753 = tpu.memref_slice %arg4[%add3A_724, %dma_wait3A_751, %dma_wait3A_752] : memref<16384x50x64xf32, #tpu.memory_space<hbm>> -> memref<16x50x64xf32, #tpu.memory_space<hbm>>
      %dma_wait3A_754 = arith.constant 0 : i32
      %dma_wait3A_755 = arith.constant 0 : i32
      %dma_wait3A_756 = arith.constant 0 : i32
      %dma_wait3A_757 = tpu.memref_slice %arg6[%run_scoped3A_725, %dma_wait3A_754, %dma_wait3A_755, %dma_wait3A_756] : memref<2x16x50x64xf32, #tpu.memory_space<vmem>> -> memref<1x16x50x64xf32, #tpu.memory_space<vmem>>
      %dma_wait3A_758 = tpu.memref_squeeze %dma_wait3A_757 : memref<1x16x50x64xf32, #tpu.memory_space<vmem>> -> memref<16x50x64xf32, #tpu.memory_space<vmem>>
      tpu.wait_dma2 semaphore(%run_scoped3A_726 : memref<!tpu.dma_semaphore, #tpu.memory_space<semaphore_mem>>) src(%dma_wait3A_758 : memref<16x50x64xf32, #tpu.memory_space<vmem>>) dst(%dma_wait3A_753 : memref<16x50x64xf32, #tpu.memory_space<hbm>>)
      tpu.yield
    }) : () -> ()
    return
  }
}

</mosaic_0001>

<sc_bundles>
// kernel: kernel.3.cloned.1.call-start
scs
__scs_entry_jumppad:
0x0: {  	(pc) =	sbr.rel $0x88, $3  }
0x1: {  	(tag) =	ssettag $0x0;
	lr =	simm.s32 $0x1  }
0x2: {  	[smem:$0x3F9F] =	sst lr;
	_ =	strace $0xD0000000  }
0x3: {  	_ = 	snop  }
0x4: {  	_ = 	snop  }
0x5: {  	_ = 	snop  }
0x6: {  	_ = 	snop  }
0x7: {  	_ = 	snop  }
__scs_overlays_trampoline_lowered:
0x8: {  	[smem:$0x3FAE] =	sst s0  }
0x9: {  	[smem:$0x3FAF] =	sst s1  }
0xa: {  	[smem:$0x3FB0] =	sst s2  }
0xb: {  	[smem:$0x3FB1] =	sst s3  }
0xc: {  	[smem:$0x3FB2] =	sst s4  }
0xd: {  	[smem:$0x3FB3] =	sst s5  }
0xe: {  	[smem:$0x3FB4] =	sst s6  }
0xf: {  	[smem:$0x3FB5] =	sst s7  }
0x10: {  	[smem:$0x3FB6] =	sst s8  }
0x11: {  	[smem:$0x3FB7] =	sst s9;
	s0 =	simm.s32 @!p0 $0x0  }
0x12: {  	s1 =	sld [smem:$0x3F9D];
	s0 =	simm.s32 @p0 $0x1  }
0x13: {  	[smem:$0x3FB8] =	sst s0;
	s0 =	simm.s32 @!p1 $0x0  }
0x14: {  	s2 =	sld [smem:$0x3F9C];
	s0 =	simm.s32 @p1 $0x1  }
0x15: {  	[smem:$0x3FB9] =	sst s0;
	s0 =	simm.s32 @!p2 $0x0  }
0x16: {  	s3 =	sld [smem:$0x3FDB];
	s0 =	simm.s32 @p2 $0x1  }
0x17: {  	s4 =	simm.s32 $0x1BF5;
	[smem:$0x3FBB] =	sst s0  }
0x18: {  	s0 =	sld [smem:$0x3F9E];
	_ =	swait.ge [sflag:s4], $0x0  }
0x19: {  	s7 =	sld [smem:$0x3F9F]  }
0x1a: {  	s8 =	sadd.s32 $0xFFFFE003, lr  }
0x1b: {  	s9 =	sadd.s32 $0xFFFFFEF7, lr;
	s5 =	simm.s32 $0xFFFFFFFF;
	p2 =	slt.u32 s8, $0xFFFFF086  }
0x1c: {  	p1 =	slt.u32 s9, $0xF7A;
	s5 =	simm.s32 @!p2 $0x0  }
0x1d: {  	s5 =	simm.s32 @p1 $0x1;
	p0 =	seq.s32 s7, s2  }
0x1e: {  	s7 =	smul.u32 @!p0 $0xF7A, s2;
	p2 =	seq.s32 @!p0 s5, $0x0  }
0x1f: {  	s9 =	smul.u32 $0xF7A, s1;
	s8 =	simm.s32 @!p0 $0x1BF5;
	p2 =	por !p2, p0  }
0x20: {  	[sflag:s8] =	ssyncset.s32 @!p0 $0xFFFFF086;
	s6 =	sadd.s32 @!p0 s3, s7;
	s7 =	simm.s32 @!p0 $0x108  }
0x21: {  	s3 =	sadd.s32 s3, s9;
	s6 =	sadd.s32 @!p0 $0x88, s6;
	s7 =	simm.s32 @p2 $0x1082  }
0x22: {  	[simem:s7], [sflag:s8] =	dma.local @!p0 [hbm:s6], $0xF7A  }
0x23: {  	s9 =	sor.u32 $0xD0000000, s2;
	s6 =	simm.s32 $0x108;
	_ =	swait.ge @!p0 [sflag:s8], $0x0  }
0x24: {  	s3 =	sadd.s32 $0x88, s3;
	s6 =	simm.s32 @!p1 $0x1082;
	[sflag:s4] =	ssyncset.s32 $0xFFFFF086  }
0x25: {  	[simem:s6], [sflag:s4] =	dma.local [hbm:s3], $0xF7A  }
0x26: {  	[smem:$0x3F9F] =	sst s1;
	(tag) =	ssettag s2;
	_ =	strace s9  }
0x27: {  	s1 =	sld [smem:$0x3FAF]  }
0x28: {  	s2 =	sld [smem:$0x3FB0]  }
0x29: {  	s4 =	sld [smem:$0x3FB2]  }
0x2a: {  	p0 =	seq.s32 s5, $0x0;
	s5 =	sld [smem:$0x3FB3]  }
0x2b: {  	s6 =	sld [smem:$0x3FB4]  }
0x2c: {  	s7 =	sld [smem:$0x3FB5]  }
0x2d: {  	s3 =	simm.s32 $0x108;
	s8 =	sld [smem:$0x3FB6]  }
0x2e: {  	s3 =	simm.s32 @!p0 $0x1082;
	s9 =	sld [smem:$0x3FB7]  }
0x2f: {  	lr =	sadd.s32 s0, s3;
	s0 =	sld [smem:$0x3FAE]  }
0x30: {  	s3 =	sld [smem:$0x3FB1]  }
0x31: {  	[smem:$0x3FBA] =	sst s10  }
0x32: {  	s10 =	sld [smem:$0x3FB8];
	_ =	sdelay $0x3  }
0x33: {  	p0 =	seq.s32 s10, $0x1;
	s10 =	sld [smem:$0x3FBA];
	_ =	sdelay $0x3  }
0x34: {  	[smem:$0x3FBA] =	sst s10  }
0x35: {  	s10 =	sld [smem:$0x3FB9];
	_ =	sdelay $0x3  }
0x36: {  	p1 =	seq.s32 s10, $0x1;
	s10 =	sld [smem:$0x3FBA];
	_ =	sdelay $0x3  }
0x37: {  	[smem:$0x3FBA] =	sst s10  }
0x38: {  	s10 =	sld [smem:$0x3FBB]  }
0x39: {  	_ = 	snop;
	(pc) =	sbr.ind lr, $3  }
0x3a: {  	_ = 	snop  }
0x3b: {  	_ = 	snop  }
0x3c: {  	p2 =	seq.s32 s10, $0x1;
	s10 =	sld [smem:$0x3FBA]  }
0x3d: {  	_ =	shalt  }
0x3e: {  	_ =	shalt  }
0x3f: {  	_ =	shalt  }
0x40: {  	_ =	shalt  }
0x41: {  	_ =	shalt  }
0x42: {  	_ =	shalt  }
0x43: {  	_ =	shalt  }
0x44: {  	_ =	shalt  }
0x45: {  	_ =	shalt  }
0x46: {  	_ =	shalt  }
0x47: {  	_ =	shalt  }
0x48: {  	_ =	shalt  }
0x49: {  	_ =	shalt  }
0x4a: {  	_ =	shalt  }
0x4b: {  	_ =	shalt  }
0x4c: {  	_ =	shalt  }
0x4d: {  	_ =	shalt  }
0x4e: {  	_ =	shalt  }
0x4f: {  	_ =	shalt  }
0x50: {  	_ =	shalt  }
0x51: {  	_ =	shalt  }
0x52: {  	_ =	shalt  }
0x53: {  	_ =	shalt  }
0x54: {  	_ =	shalt  }
0x55: {  	_ =	shalt  }
0x56: {  	_ =	shalt  }
0x57: {  	_ =	shalt  }
0x58: {  	_ =	shalt  }
0x59: {  	_ =	shalt  }
0x5a: {  	_ =	shalt  }
0x5b: {  	_ =	shalt  }
0x5c: {  	_ =	shalt  }
0x5d: {  	_ =	shalt  }
0x5e: {  	_ =	shalt  }
0x5f: {  	_ =	shalt  }
0x60: {  	_ =	shalt  }
0x61: {  	_ =	shalt  }
0x62: {  	_ =	shalt  }
0x63: {  	_ =	shalt  }
0x64: {  	_ =	shalt  }
0x65: {  	_ =	shalt  }
0x66: {  	_ =	shalt  }
0x67: {  	_ =	shalt  }
0x68: {  	_ =	shalt  }
0x69: {  	_ =	shalt  }
0x6a: {  	_ =	shalt  }
0x6b: {  	_ =	shalt  }
0x6c: {  	_ =	shalt  }
0x6d: {  	_ =	shalt  }
0x6e: {  	_ =	shalt  }
0x6f: {  	_ =	shalt  }
0x70: {  	_ =	shalt  }
0x71: {  	_ =	shalt  }
0x72: {  	_ =	shalt  }
0x73: {  	_ =	shalt  }
0x74: {  	_ =	shalt  }
0x75: {  	_ =	shalt  }
0x76: {  	_ =	shalt  }
0x77: {  	_ =	shalt  }
0x78: {  	_ =	shalt  }
0x79: {  	_ =	shalt  }
0x7a: {  	_ =	shalt  }
0x7b: {  	_ =	shalt  }
0x7c: {  	_ =	shalt  }
0x7d: {  	_ =	shalt  }
0x7e: {  	_ =	shalt  }
0x7f: {  	_ =	shalt  }
0x80: {  	_ =	shalt  }
0x81: {  	_ =	shalt  }
0x82: {  	_ =	shalt  }
0x83: {  	_ =	shalt  }
0x84: {  	_ =	shalt  }
0x85: {  	_ =	shalt  }
0x86: {  	_ =	shalt  }
0x87: {  	_ =	shalt  }
.Lfunc_end0:
.L_simem_size_0:
called_computation.1_lowered:
.L_overlay_start_0:
0x88: {  	s2 =	sld [smem:$0x3FD9]  }
0x89: {  	s3 =	sld [smem:$0x3FFE];
	_ =	sdelay $0x1  }
0x8a: {  	s1 =	srdreg.scid  }
0x8b: {  	s0 =	sand.u32 $0x1, s1  }
0x8c: {  	s17 =	sshll.u32 s0, $0xA;
	s2 =	sadd.s32 s3, s2  }
0x8d: {  	s2 =	sadd.s32 s2, s17  }
0x8e: {  	[smem:$0x3FC6] =	sst s2  }
0x8f: {  	_ = 	snop  }
0x90: {  	s2 =	sld [smem:$0x3FD0];
	(tm) =	ssettm $0x1  }
0x91: {  	s18 =	sld [smem:$0x3FFB];
	_ =	sdelay $0x3  }
0x92: {  	_ =	strace s18  }
0x93: {  	s3 =	sld [smem:$0x3FFC];
	_ =	sdelay $0x3  }
0x94: {  	_ =	strace s3  }
0x95: {  	s3 =	sld [smem:$0x3FFD];
	_ =	sdelay $0x3  }
0x96: {  	_ =	strace s3  }
0x97: {  	_ =	strace $0x8FFFFFFF  }
0x98: {  	s19 =	sld [smem:$0x3FDB];
	_ =	sdelay $0x1  }
0x99: {  	s4 =	simm.s32 $_scs_section_size  }
0x9a: {  	s5 =	simm.s32 $_size__tile_overlayer_lowered;
	s6 =	simm.s32 $_tile_overlayer_lowered  }
0x9b: {  	s22 =	simm.s32 $0x1BFF;
	s21 =	sshll.u32 s6, $0x1;
	s3 =	sadd.s32 s4, s19  }
0x9c: {  	s7 =	simm.s32 $0x0;
	s20 =	sshll.u32 s5, $0x1;
	s5 =	sadd.s32 s21, s3  }
0x9d: {  	[timem:s7], [sflag:s22] =	dma.local [hbm:s5], s20  }
0x9e: {  	_ =	swait.ge [sflag:s22], s20  }
0x9f: {  	s4 =	ssub.s32 $0x0, s20;
	[sflag:s22] =	ssyncset.done $0x0  }
0xa0: {  	[sflag:s22] =	ssyncadd.s32 s4;
	_ =	sdelay $0x1  }
0xa1: {  	s23 =	simm.s32 $0x1B8B  }
0xa2: {  	_ =	swait.ge [sflag:s23], $0x1  }
0xa3: {  	[sflag:s23] =	ssyncset.done $0x0  }
0xa4: {  	s25 =	simm.s32 $0x1B8E;
	s24 =	sld [smem:$0x3FFE];
	[sflag:s23] =	ssyncadd.s32 $0xFFFFFFFF  }
0xa5: {  	s26 =	simm.s32 $execute0_lowered;
	[smem:$0x3FD2] =	sst s25  }
0xa6: {  	s5 =	sshll.u32 s26, $0x1;
	_ =	strace $0x80000046;
	[dreg:$0x1] =	wrdreg $0xFFFFFFFF  }
0xa7: {  	s28 =	simm.s32 $_size_execute0_lowered;
	s3 =	sadd.s32 s3, s5;
	[dreg:$0x0] =	wrdreg $0x0  }
0xa8: {  	s5 =	sshll.u32 s28, $0x1;
	[dreg:$0x2] =	wrdreg s3  }
0xa9: {  	[dreg:$0x3] =	wrdreg s5  }
0xaa: {  	[dreg:$0x4] =	wrdreg $0xC0  }
0xab: {  	_ =	task [dreg:s7], $0x5FFFF  }
0xac: {  	[dreg:$0x1] =	wrdreg $0xFFFFFFFF  }
0xad: {  	[dreg:$0x0] =	wrdreg $0x60  }
0xae: {  	[dreg:$0x2] =	wrdreg s24  }
0xaf: {  	[dreg:$0x3] =	wrdreg s2  }
0xb0: {  	[dreg:$0x4] =	wrdreg $0x9  }
0xb1: {  	_ =	task.clear_ibuf [dreg:s7], $0x5FFFF;
	_ =	strace $0x90000046  }
0xb2: {  	s29 =	simm.s32 $0x9;
	_ =	strace $0x80000048  }
0xb3: {  	_ =	swait.ge [sflag:s29], $0x1  }
0xb4: {  	[sflag:s29] =	ssyncadd.s32 $0xFFFFFFFF  }
0xb5: {  	_ =	strace $0x90000048  }
0xb6: {  	_ =	sfence  }
0xb7: {  	s30 =	sld [smem:$0x0];
	_ =	sdelay $0x2  }
0xb8: {  	s31 =	sshll.u32 s1, $0xD;
	s1 =	sshrl.u32 s1, $0x2  }
0xb9: {  	s3 =	sand.u32 $0x4000, s31;
	s1 =	sadd.s32 s1, s30  }
0xba: {  	s0 =	sor.u32 s3, s0;
	s1 =	sshll.u32 s1, $0x11  }
0xbb: {  	s0 =	sor.u32 s1, s0  }
0xbc: {  	s0 =	sadd.s32 $0x8F2B, s0  }
0xbd: {  	[sflag:s0] =	ssyncadd.remote.s32 $0x1  }
0xbe: {  	_ =	sfence.sel $0xFFFF  }
0xbf: {  	[dreg:$0x0] =	wrdreg $0xFFFFFFFF;
	(pc) =	sbr.abs _section_cstart, $3  }
0xc0: {  	[dreg:$0x1] =	wrdreg $0xFFFFFFFF  }
0xc1: {  	_ =	task.clear_ibuf [dreg:s7], $0x2FFFF;
	_ =	strace $0x9FFFFFFF  }
0xc2: {  	(tm) =	ssettm $0x7FFFFFFF  }
0xc3: {  	_ =	shalt  }
tec
execute0_lowered:
.L_overlay_start_1:
0x0: {  	(tag) =	ssettag $0x1  }
0x1: {  	s0 =	srdreg.scid  }
0x2: {  	s9 =	stileid.u32;
	s1 =	rddreg [dreg:$0x0]  }
0x3: {  	s8 =	rddreg [dreg:$0x1];
	s10 =	simm.s32 $0x32;
	s11 =	simm.s32 $0x7000  }
0x4: {  	s22 =	simm.s32 $0x13800;
	s28 =	simm.s32 $0x658;
	s29 =	simm.s32 $0x1DA80  }
0x5: {  	s30 =	simm.s32 $0x690;
	s31 =	simm.s32 $0x1E700;
	s12 =	simm.s32 $0x1  }
0x6: {  	s13 =	simm.s32 $0x2;
	s14 =	simm.s32 $0x0;
	s0 =	sand.u32 $0x1, s0  }
0x7: {  	s2 =	sshll.u32 s9, $0xA;
	s9 =	smul.u32 $0x64000, s9;
	s3 =	sshll.u32 s0, $0x9  }
0x8: {  	s6 =	ssub.s32 $0x2, s0;
	s0 =	smul.u32 $0x32000, s0;
	s3 =	sor.u32 s3, s2  }
0x9: {  	s2 =	simm.s32 $0x0;
	s24 =	sshrl.u32 s6, $0x1;
	s4 =	smul.u32 $0x7, s3  }
0xa: {  	s26 =	sadd.s32 s9, s8;
	s9 =	simm.s32 $0x3;
	s5 =	smul.u32 $0xC80, s3  }
0xb: {  	[smem:$0x7FF] =	sst s2;
	s3 =	sadd.s32 $0xF42E00, s1;
	s7 =	ssub.s32 s6, s24  }
0xc: {  	_ =	strace $0x80000047;
	s1 =	sadd.s32 s4, s1;
	s5 =	sshrl.u32 s5, $0x3  }
0xd: {  	s7 =	smax.u32 s7, $0x1;
	s25 =	sadd.s32 s8, s5;
	s4 =	sadd.s32 $0xA00, s1  }
0xe: {  	s8 =	sadd.s32 s0, s26;
	s26 =	simm.s32 $0x1CE00;
	s1 =	simm.s32 $0x6C8  }
0xf: {  	s0 =	simm.s32 $0x1F380;
	s5 =	sadd.s32 $0x2EE00, s25;
	s6 =	sadd.s32 $0x30700, s25  }
.LBB2_1:
0x10: {  	[tilespmem:s2], [sflag:$0x3] =	stream.linear.gather [hbm4b:s4+s2], $0x7000, $0x38;
	v63 =	vld [tilespmem:$0x0]  }
0x11: {  	_ =	swait.ge [sflag:s9], $0x7000  }
0x12: {  	[sflag:s9] =	ssyncset.done $0x0  }
0x13: {  	[sflag:s9] =	ssyncadd.s32 $0xFFFF9000  }
0x14: {  	[tilespmem:s11], [sflag:$0x1] =	stream.indirect.gather [hbm4b:s3+s10], $0x40, s2, s10, $0xb8;
	v63 =	vld [tilespmem:$0x0]  }
0x15: {  	s15 =	simm.s32 $0x38;
	s16 =	simm.s32 $0x7C80  }
0x16: {  	[tilespmem:s16], [sflag:$0x1] =	stream.indirect.gather [hbm4b:s3+s10], $0x40, s15, s10, $0xb8;
	v63 =	vld [tilespmem:$0x0]  }
0x17: {  	s19 =	simm.s32 $0x70;
	s20 =	simm.s32 $0x8900  }
0x18: {  	[tilespmem:s20], [sflag:$0x1] =	stream.indirect.gather [hbm4b:s3+s10], $0x40, s19, s10, $0xb8;
	v63 =	vld [tilespmem:$0x0]  }
0x19: {  	s21 =	simm.s32 $0xA8;
	s23 =	simm.s32 $0x9580  }
0x1a: {  	[tilespmem:s23], [sflag:$0x1] =	stream.indirect.gather [hbm4b:s3+s10], $0x40, s21, s10, $0xb8;
	v63 =	vld [tilespmem:$0x0]  }
0x1b: {  	s24 =	simm.s32 $0xE0;
	s25 =	simm.s32 $0xA200  }
0x1c: {  	[tilespmem:s25], [sflag:$0x1] =	stream.indirect.gather [hbm4b:s3+s10], $0x40, s24, s10, $0xb8;
	v63 =	vld [tilespmem:$0x0]  }
0x1d: {  	s17 =	simm.s32 $0x118;
	s18 =	simm.s32 $0xAE80  }
0x1e: {  	[tilespmem:s18], [sflag:$0x1] =	stream.indirect.gather [hbm4b:s3+s10], $0x40, s17, s10, $0xb8;
	v63 =	vld [tilespmem:$0x0]  }
0x1f: {  	s19 =	simm.s32 $0x150;
	s20 =	simm.s32 $0xBB00  }
0x20: {  	[tilespmem:s20], [sflag:$0x1] =	stream.indirect.gather [hbm4b:s3+s10], $0x40, s19, s10, $0xb8;
	v63 =	vld [tilespmem:$0x0]  }
0x21: {  	s21 =	simm.s32 $0x188;
	s23 =	simm.s32 $0xC780  }
0x22: {  	[tilespmem:s23], [sflag:$0x1] =	stream.indirect.gather [hbm4b:s3+s10], $0x40, s21, s10, $0xb8;
	v63 =	vld [tilespmem:$0x0]  }
0x23: {  	s24 =	simm.s32 $0x1C0;
	s25 =	simm.s32 $0xD400  }
0x24: {  	[tilespmem:s25], [sflag:$0x1] =	stream.indirect.gather [hbm4b:s3+s10], $0x40, s24, s10, $0xb8;
	v63 =	vld [tilespmem:$0x0]  }
0x25: {  	s17 =	simm.s32 $0x1F8;
	s18 =	simm.s32 $0xE080  }
0x26: {  	[tilespmem:s18], [sflag:$0x1] =	stream.indirect.gather [hbm4b:s3+s10], $0x40, s17, s10, $0xb8;
	v63 =	vld [tilespmem:$0x0]  }
0x27: {  	s19 =	simm.s32 $0x230;
	s20 =	simm.s32 $0xED00  }
0x28: {  	[tilespmem:s20], [sflag:$0x1] =	stream.indirect.gather [hbm4b:s3+s10], $0x40, s19, s10, $0xb8;
	v63 =	vld [tilespmem:$0x0]  }
0x29: {  	s21 =	simm.s32 $0x268;
	s23 =	simm.s32 $0xF980  }
0x2a: {  	[tilespmem:s23], [sflag:$0x1] =	stream.indirect.gather [hbm4b:s3+s10], $0x40, s21, s10, $0xb8;
	v63 =	vld [tilespmem:$0x0]  }
0x2b: {  	s24 =	simm.s32 $0x2A0;
	s25 =	simm.s32 $0x10600  }
0x2c: {  	[tilespmem:s25], [sflag:$0x1] =	stream.indirect.gather [hbm4b:s3+s10], $0x40, s24, s10, $0xb8;
	v63 =	vld [tilespmem:$0x0]  }
0x2d: {  	s16 =	simm.s32 $0x2D8;
	s17 =	simm.s32 $0x11280  }
0x2e: {  	[tilespmem:s17], [sflag:$0x1] =	stream.indirect.gather [hbm4b:s3+s10], $0x40, s16, s10, $0xb8;
	v63 =	vld [tilespmem:$0x0]  }
0x2f: {  	s18 =	simm.s32 $0x310;
	s19 =	simm.s32 $0x11F00  }
0x30: {  	[tilespmem:s19], [sflag:$0x1] =	stream.indirect.gather [hbm4b:s3+s10], $0x40, s18, s10, $0xb8;
	v63 =	vld [tilespmem:$0x0]  }
0x31: {  	s20 =	simm.s32 $0x348;
	s21 =	simm.s32 $0x12B80  }
0x32: {  	[tilespmem:s21], [sflag:$0x1] =	stream.indirect.gather [hbm4b:s3+s10], $0x40, s20, s10, $0xb8;
	v63 =	vld [tilespmem:$0x0]  }
0x33: {  	s23 =	simm.s32 $0x380  }
0x34: {  	[tilespmem:s22], [sflag:$0x2] =	stream.indirect.gather [hbm4b:s3+s10], $0x40, s23, s10, $0xb8;
	v63 =	vld [tilespmem:$0x0]  }
0x35: {  	s24 =	simm.s32 $0x3B8;
	s25 =	simm.s32 $0x14480  }
0x36: {  	[tilespmem:s25], [sflag:$0x2] =	stream.indirect.gather [hbm4b:s3+s10], $0x40, s24, s10, $0xb8;
	v63 =	vld [tilespmem:$0x0]  }
0x37: {  	s17 =	simm.s32 $0x3F0;
	s18 =	simm.s32 $0x15100  }
0x38: {  	[tilespmem:s18], [sflag:$0x2] =	stream.indirect.gather [hbm4b:s3+s10], $0x40, s17, s10, $0xb8;
	v63 =	vld [tilespmem:$0x0]  }
0x39: {  	s19 =	simm.s32 $0x428;
	s20 =	simm.s32 $0x15D80  }
0x3a: {  	[tilespmem:s20], [sflag:$0x2] =	stream.indirect.gather [hbm4b:s3+s10], $0x40, s19, s10, $0xb8;
	v63 =	vld [tilespmem:$0x0]  }
0x3b: {  	s21 =	simm.s32 $0x460;
	s23 =	simm.s32 $0x16A00  }
0x3c: {  	[tilespmem:s23], [sflag:$0x2] =	stream.indirect.gather [hbm4b:s3+s10], $0x40, s21, s10, $0xb8;
	v63 =	vld [tilespmem:$0x0]  }
0x3d: {  	s24 =	simm.s32 $0x498;
	s25 =	simm.s32 $0x17680  }
0x3e: {  	[tilespmem:s25], [sflag:$0x2] =	stream.indirect.gather [hbm4b:s3+s10], $0x40, s24, s10, $0xb8;
	v63 =	vld [tilespmem:$0x0]  }
0x3f: {  	s17 =	simm.s32 $0x4D0;
	s18 =	simm.s32 $0x18300  }
0x40: {  	[tilespmem:s18], [sflag:$0x2] =	stream.indirect.gather [hbm4b:s3+s10], $0x40, s17, s10, $0xb8;
	v63 =	vld [tilespmem:$0x0]  }
0x41: {  	s19 =	simm.s32 $0x508;
	s20 =	simm.s32 $0x18F80  }
0x42: {  	[tilespmem:s20], [sflag:$0x2] =	stream.indirect.gather [hbm4b:s3+s10], $0x40, s19, s10, $0xb8;
	v63 =	vld [tilespmem:$0x0]  }
0x43: {  	s21 =	simm.s32 $0x540;
	s23 =	simm.s32 $0x19C00  }
0x44: {  	[tilespmem:s23], [sflag:$0x2] =	stream.indirect.gather [hbm4b:s3+s10], $0x40, s21, s10, $0xb8;
	v63 =	vld [tilespmem:$0x0]  }
0x45: {  	s24 =	simm.s32 $0x578;
	s25 =	simm.s32 $0x1A880  }
0x46: {  	[tilespmem:s25], [sflag:$0x2] =	stream.indirect.gather [hbm4b:s3+s10], $0x40, s24, s10, $0xb8;
	v63 =	vld [tilespmem:$0x0]  }
0x47: {  	s16 =	simm.s32 $0x5B0;
	s17 =	simm.s32 $0x1B500  }
0x48: {  	[tilespmem:s17], [sflag:$0x2] =	stream.indirect.gather [hbm4b:s3+s10], $0x40, s16, s10, $0xb8;
	v63 =	vld [tilespmem:$0x0]  }
0x49: {  	s18 =	simm.s32 $0x5E8;
	s19 =	simm.s32 $0x1C180  }
0x4a: {  	[tilespmem:s19], [sflag:$0x2] =	stream.indirect.gather [hbm4b:s3+s10], $0x40, s18, s10, $0xb8;
	v63 =	vld [tilespmem:$0x0]  }
0x4b: {  	s20 =	simm.s32 $0x620  }
0x4c: {  	[tilespmem:s26], [sflag:$0x2] =	stream.indirect.gather [hbm4b:s3+s10], $0x40, s20, s10, $0xb8;
	v63 =	vld [tilespmem:$0x0]  }
0x4d: {  	_ = 	snop  }
0x4e: {  	[tilespmem:s29], [sflag:$0x2] =	stream.indirect.gather [hbm4b:s3+s10], $0x40, s28, s10, $0xb8;
	v63 =	vld [tilespmem:$0x0]  }
0x4f: {  	s21 =	sand.u32 $0x1, s2  }
0x50: {  	[tilespmem:s31], [sflag:$0x2] =	stream.indirect.gather [hbm4b:s3+s10], $0x40, s30, s10, $0xb8;
	v63 =	vld [tilespmem:$0x0]  }
0x51: {  	s23 =	smul.u32 $0x32000, s21;
	s15 =	sadd.s32 $0x1, s21  }
0x52: {  	[tilespmem:s0], [sflag:$0x2] =	stream.indirect.gather [hbm4b:s3+s10], $0x40, s1, s10, $0xb8;
	v63 =	vld [tilespmem:$0x0]  }
0x53: {  	_ =	swait.ge [sflag:s15], $0xC800  }
0x54: {  	s21 =	sshrl.u32 s23, $0x2;
	[sflag:s15] =	ssyncset.done $0x0  }
0x55: {  	s16 =	sadd.s32 $0x7000, s21;
	[sflag:s15] =	ssyncadd.s32 $0xFFFF3800  }
0x56: {  	[hbm4b:s8+s2] =	stream.linear.scatter [tilespmem:s16], [sflag:$0x3], $0xC800, $0x38;
	v63 =	vld [tilespmem:$0x0]  }
0x57: {  	_ =	swait.ge [sflag:s9], $0xC800  }
0x58: {  	[sflag:s9] =	ssyncset.done $0x0  }
0x59: {  	s17 =	simm.s32 $0x700;
	[sflag:s9] =	ssyncadd.s32 $0xFFFF3800  }
0x5a: {  	[tilespmem:s16], [sflag:s15] =	stream.indirect.gather [hbm4b:s3+s10], $0x40, s17, s10, $0xb8;
	v63 =	vld [tilespmem:$0x0]  }
0x5b: {  	s25 =	simm.s32 $0x738;
	s24 =	sadd.s32 $0x7C80, s21  }
0x5c: {  	[tilespmem:s24], [sflag:s15] =	stream.indirect.gather [hbm4b:s3+s10], $0x40, s25, s10, $0xb8;
	v63 =	vld [tilespmem:$0x0]  }
0x5d: {  	s18 =	sadd.s32 $0x8900, s21;
	s19 =	simm.s32 $0x770  }
0x5e: {  	[tilespmem:s18], [sflag:s15] =	stream.indirect.gather [hbm4b:s3+s10], $0x40, s19, s10, $0xb8;
	v63 =	vld [tilespmem:$0x0]  }
0x5f: {  	s23 =	simm.s32 $0x7A8;
	s20 =	sadd.s32 $0x9580, s21  }
0x60: {  	[tilespmem:s20], [sflag:s15] =	stream.indirect.gather [hbm4b:s3+s10], $0x40, s23, s10, $0xb8;
	v63 =	vld [tilespmem:$0x0]  }
0x61: {  	s24 =	sadd.s32 $0xA200, s21;
	s25 =	simm.s32 $0x7E0  }
0x62: {  	[tilespmem:s24], [sflag:s15] =	stream.indirect.gather [hbm4b:s3+s10], $0x40, s25, s10, $0xb8;
	v63 =	vld [tilespmem:$0x0]  }
0x63: {  	s18 =	sadd.s32 $0xAE80, s21;
	s19 =	simm.s32 $0x818  }
0x64: {  	[tilespmem:s18], [sflag:s15] =	stream.indirect.gather [hbm4b:s3+s10], $0x40, s19, s10, $0xb8;
	v63 =	vld [tilespmem:$0x0]  }
0x65: {  	s20 =	sadd.s32 $0xBB00, s21;
	s23 =	simm.s32 $0x850  }
0x66: {  	[tilespmem:s20], [sflag:s15] =	stream.indirect.gather [hbm4b:s3+s10], $0x40, s23, s10, $0xb8;
	v63 =	vld [tilespmem:$0x0]  }
0x67: {  	s24 =	sadd.s32 $0xC780, s21;
	s25 =	simm.s32 $0x888  }
0x68: {  	[tilespmem:s24], [sflag:s15] =	stream.indirect.gather [hbm4b:s3+s10], $0x40, s25, s10, $0xb8;
	v63 =	vld [tilespmem:$0x0]  }
0x69: {  	s18 =	sadd.s32 $0xD400, s21;
	s19 =	simm.s32 $0x8C0  }
0x6a: {  	[tilespmem:s18], [sflag:s15] =	stream.indirect.gather [hbm4b:s3+s10], $0x40, s19, s10, $0xb8;
	v63 =	vld [tilespmem:$0x0]  }
0x6b: {  	s20 =	sadd.s32 $0xE080, s21;
	s23 =	simm.s32 $0x8F8  }
0x6c: {  	[tilespmem:s20], [sflag:s15] =	stream.indirect.gather [hbm4b:s3+s10], $0x40, s23, s10, $0xb8;
	v63 =	vld [tilespmem:$0x0]  }
0x6d: {  	s17 =	sadd.s32 $0xF980, s21;
	s24 =	sadd.s32 $0xED00, s21;
	s25 =	simm.s32 $0x930  }
0x6e: {  	[tilespmem:s24], [sflag:s15] =	stream.indirect.gather [hbm4b:s3+s10], $0x40, s25, s10, $0xb8;
	v63 =	vld [tilespmem:$0x0]  }
0x6f: {  	s16 =	simm.s32 $0xE00;
	s18 =	simm.s32 $0x968;
	s19 =	sor.u32 $0x10600, s21  }
0x70: {  	[tilespmem:s17], [sflag:s15] =	stream.indirect.gather [hbm4b:s3+s10], $0x40, s18, s10, $0xb8;
	v63 =	vld [tilespmem:$0x0]  }
0x71: {  	s20 =	simm.s32 $0x9A0;
	s23 =	sadd.s32 $0x11280, s21;
	s24 =	simm.s32 $0x1  }
0x72: {  	[tilespmem:s19], [sflag:s15] =	stream.indirect.gather [hbm4b:s3+s10], $0x40, s20, s10, $0xb8;
	v63 =	vld [tilespmem:$0x0]  }
0x73: {  	s25 =	sadd.s32 $0x11F00, s21;
	s21 =	sadd.s32 $0x12B80, s21;
	s18 =	simm.s32 $0x9D8  }
0x74: {  	[tilespmem:s23], [sflag:s15] =	stream.indirect.gather [hbm4b:s3+s10], $0x40, s18, s10, $0xb8;
	v63 =	vld [tilespmem:$0x0]  }
0x75: {  	s17 =	sadd.s32 $0x1900, s8;
	s19 =	simm.s32 $0xA10;
	s20 =	simm.s32 $0x2  }
0x76: {  	[tilespmem:s25], [sflag:s15] =	stream.indirect.gather [hbm4b:s3+s10], $0x40, s19, s10, $0xb8;
	v63 =	vld [tilespmem:$0x0]  }
0x77: {  	s18 =	sand.u32 $0x1, s24;
	s23 =	simm.s32 $0xA48;
	s19 =	simm.s32 $0x1C00  }
.LBB2_2:
0x78: {  	[tilespmem:s21], [sflag:s15] =	stream.indirect.gather [hbm4b:s3+s10], $0x40, s23, s10, $0xb8;
	v63 =	vld [tilespmem:$0x0]  }
0x79: {  	s24 =	smov.u32 s19  }
0x7a: {  	s21 =	smul.u32 $0x32000, s18;
	s15 =	sadd.s32 $0x1, s18;
	s18 =	sand.u32 $0x1, s20  }
0x7b: {  	p0 =	sne.s32 s19, $0x19600;
	s19 =	sadd.s32 $0xE00, s19;
	_ =	swait.ge [sflag:s15], $0xC800  }
0x7c: {  	s21 =	sshrl.u32 s21, $0x2;
	[sflag:s15] =	ssyncset.done $0x0  }
0x7d: {  	s25 =	sadd.s32 $0x7000, s21;
	[sflag:s15] =	ssyncadd.s32 $0xFFFF3800  }
0x7e: {  	[hbm4b:s17+s2] =	stream.linear.scatter [tilespmem:s25], [sflag:$0x3], $0xC800, $0x38;
	v63 =	vld [tilespmem:$0x0]  }
0x7f: {  	_ =	swait.ge [sflag:s9], $0xC800  }
0x80: {  	s23 =	sshra.s32 s16, $0x2;
	s16 =	smov.u32 s24;
	[sflag:s9] =	ssyncset.done $0x0  }
0x81: {  	s24 =	sadd.s32 $0x700, s23;
	[sflag:s9] =	ssyncadd.s32 $0xFFFF3800  }
0x82: {  	[tilespmem:s25], [sflag:s15] =	stream.indirect.gather [hbm4b:s3+s10], $0x40, s24, s10, $0xb8;
	v63 =	vld [tilespmem:$0x0]  }
0x83: {  	s24 =	sadd.s32 $0x7C80, s21;
	s25 =	sadd.s32 $0x738, s23  }
0x84: {  	[tilespmem:s24], [sflag:s15] =	stream.indirect.gather [hbm4b:s3+s10], $0x40, s25, s10, $0xb8;
	v63 =	vld [tilespmem:$0x0]  }
0x85: {  	s24 =	sadd.s32 $0x8900, s21;
	s25 =	sadd.s32 $0x770, s23  }
0x86: {  	[tilespmem:s24], [sflag:s15] =	stream.indirect.gather [hbm4b:s3+s10], $0x40, s25, s10, $0xb8;
	v63 =	vld [tilespmem:$0x0]  }
0x87: {  	s24 =	sadd.s32 $0x9580, s21;
	s25 =	sadd.s32 $0x7A8, s23  }
0x88: {  	[tilespmem:s24], [sflag:s15] =	stream.indirect.gather [hbm4b:s3+s10], $0x40, s25, s10, $0xb8;
	v63 =	vld [tilespmem:$0x0]  }
0x89: {  	s24 =	sadd.s32 $0xA200, s21;
	s25 =	sadd.s32 $0x7E0, s23  }
0x8a: {  	[tilespmem:s24], [sflag:s15] =	stream.indirect.gather [hbm4b:s3+s10], $0x40, s25, s10, $0xb8;
	v63 =	vld [tilespmem:$0x0]  }
0x8b: {  	s24 =	sadd.s32 $0xAE80, s21;
	s25 =	sadd.s32 $0x818, s23  }
0x8c: {  	[tilespmem:s24], [sflag:s15] =	stream.indirect.gather [hbm4b:s3+s10], $0x40, s25, s10, $0xb8;
	v63 =	vld [tilespmem:$0x0]  }
0x8d: {  	s24 =	sadd.s32 $0xBB00, s21;
	s25 =	sadd.s32 $0x850, s23  }
0x8e: {  	[tilespmem:s24], [sflag:s15] =	stream.indirect.gather [hbm4b:s3+s10], $0x40, s25, s10, $0xb8;
	v63 =	vld [tilespmem:$0x0]  }
0x8f: {  	s24 =	sadd.s32 $0xC780, s21;
	s25 =	sadd.s32 $0x888, s23  }
0x90: {  	[tilespmem:s24], [sflag:s15] =	stream.indirect.gather [hbm4b:s3+s10], $0x40, s25, s10, $0xb8;
	v63 =	vld [tilespmem:$0x0]  }
0x91: {  	s24 =	sadd.s32 $0xD400, s21;
	s25 =	sadd.s32 $0x8C0, s23  }
0x92: {  	[tilespmem:s24], [sflag:s15] =	stream.indirect.gather [hbm4b:s3+s10], $0x40, s25, s10, $0xb8;
	v63 =	vld [tilespmem:$0x0]  }
0x93: {  	s24 =	sadd.s32 $0xE080, s21;
	s25 =	sadd.s32 $0x8F8, s23  }
0x94: {  	[tilespmem:s24], [sflag:s15] =	stream.indirect.gather [hbm4b:s3+s10], $0x40, s25, s10, $0xb8;
	v63 =	vld [tilespmem:$0x0]  }
0x95: {  	s24 =	sadd.s32 $0xED00, s21;
	s25 =	sadd.s32 $0x930, s23  }
0x96: {  	[tilespmem:s24], [sflag:s15] =	stream.indirect.gather [hbm4b:s3+s10], $0x40, s25, s10, $0xb8;
	v63 =	vld [tilespmem:$0x0]  }
0x97: {  	s24 =	sadd.s32 $0xF980, s21;
	s25 =	sadd.s32 $0x968, s23  }
0x98: {  	[tilespmem:s24], [sflag:s15] =	stream.indirect.gather [hbm4b:s3+s10], $0x40, s25, s10, $0xb8;
	v63 =	vld [tilespmem:$0x0]  }
0x99: {  	s24 =	sor.u32 $0x10600, s21;
	s25 =	sadd.s32 $0x9A0, s23  }
0x9a: {  	[tilespmem:s24], [sflag:s15] =	stream.indirect.gather [hbm4b:s3+s10], $0x40, s25, s10, $0xb8;
	v63 =	vld [tilespmem:$0x0]  }
.Ltmp0:
0x9b: {  	s24 =	sadd.s32 $0x11280, s21;
	s25 =	sadd.s32 $0x9D8, s23;
	(pc) =	sbr.rel @p0 .LBB2_2-.Ltmp0, $4  }
0x9c: {  	[tilespmem:s24], [sflag:s15] =	stream.indirect.gather [hbm4b:s3+s10], $0x40, s25, s10, $0xb8;
	v63 =	vld [tilespmem:$0x0]  }
0x9d: {  	s17 =	sadd.s32 $0x1900, s17;
	s24 =	sadd.s32 $0x11F00, s21;
	s25 =	sadd.s32 $0xA10, s23  }
0x9e: {  	[tilespmem:s24], [sflag:s15] =	stream.indirect.gather [hbm4b:s3+s10], $0x40, s25, s10, $0xb8;
	v63 =	vld [tilespmem:$0x0]  }
0x9f: {  	s20 =	sadd.s32 $0x1, s20;
	s21 =	sadd.s32 $0x12B80, s21;
	s23 =	sadd.s32 $0xA48, s23  }
0xa0: {  	[tilespmem:s21], [sflag:s15] =	stream.indirect.gather [hbm4b:s3+s10], $0x40, s23, s10, $0xb8;
	v63 =	vld [tilespmem:$0x0]  }
0xa1: {  	s19 =	smul.u32 $0x32000, s18;
	s18 =	sadd.s32 $0x1, s18  }
0xa2: {  	_ =	swait.ge [sflag:s18], $0xC800  }
0xa3: {  	s15 =	sshrl.u32 s19, $0x2;
	[sflag:s18] =	ssyncset.done $0x0  }
0xa4: {  	s19 =	sadd.s32 $0x7000, s15;
	[sflag:s18] =	ssyncadd.s32 $0xFFFF3800  }
0xa5: {  	[hbm4b:s17+s2] =	stream.linear.scatter [tilespmem:s19], [sflag:$0x3], $0xC800, $0x38;
	v63 =	vld [tilespmem:$0x0]  }
0xa6: {  	_ =	swait.ge [sflag:s9], $0xC800  }
0xa7: {  	s16 =	sshra.s32 s16, $0x2;
	[sflag:s9] =	ssyncset.done $0x0  }
0xa8: {  	s20 =	sadd.s32 $0x700, s16;
	[sflag:s9] =	ssyncadd.s32 $0xFFFF3800  }
0xa9: {  	[tilespmem:s19], [sflag:s18] =	stream.indirect.gather [hbm4b:s3+s10], $0x40, s20, s10, $0xb8;
	v63 =	vld [tilespmem:$0x0]  }
0xaa: {  	s23 =	sadd.s32 $0x738, s16;
	s21 =	sadd.s32 $0x7C80, s15  }
0xab: {  	[tilespmem:s21], [sflag:s18] =	stream.indirect.gather [hbm4b:s3+s10], $0x40, s23, s10, $0xb8;
	v63 =	vld [tilespmem:$0x0]  }
0xac: {  	s25 =	sadd.s32 $0x770, s16;
	s24 =	sadd.s32 $0x8900, s15  }
0xad: {  	[tilespmem:s24], [sflag:s18] =	stream.indirect.gather [hbm4b:s3+s10], $0x40, s25, s10, $0xb8;
	v63 =	vld [tilespmem:$0x0]  }
0xae: {  	s19 =	sadd.s32 $0x9580, s15;
	s20 =	sadd.s32 $0x7A8, s16  }
0xaf: {  	[tilespmem:s19], [sflag:s18] =	stream.indirect.gather [hbm4b:s3+s10], $0x40, s20, s10, $0xb8;
	v63 =	vld [tilespmem:$0x0]  }
0xb0: {  	s21 =	sadd.s32 $0xA200, s15;
	s23 =	sadd.s32 $0x7E0, s16  }
0xb1: {  	[tilespmem:s21], [sflag:s18] =	stream.indirect.gather [hbm4b:s3+s10], $0x40, s23, s10, $0xb8;
	v63 =	vld [tilespmem:$0x0]  }
0xb2: {  	s24 =	sadd.s32 $0xAE80, s15;
	s25 =	sadd.s32 $0x818, s16  }
0xb3: {  	[tilespmem:s24], [sflag:s18] =	stream.indirect.gather [hbm4b:s3+s10], $0x40, s25, s10, $0xb8;
	v63 =	vld [tilespmem:$0x0]  }
0xb4: {  	s19 =	sadd.s32 $0xBB00, s15;
	s20 =	sadd.s32 $0x850, s16  }
0xb5: {  	[tilespmem:s19], [sflag:s18] =	stream.indirect.gather [hbm4b:s3+s10], $0x40, s20, s10, $0xb8;
	v63 =	vld [tilespmem:$0x0]  }
0xb6: {  	s21 =	sadd.s32 $0xC780, s15;
	s23 =	sadd.s32 $0x888, s16  }
0xb7: {  	[tilespmem:s21], [sflag:s18] =	stream.indirect.gather [hbm4b:s3+s10], $0x40, s23, s10, $0xb8;
	v63 =	vld [tilespmem:$0x0]  }
0xb8: {  	s24 =	sadd.s32 $0xD400, s15;
	s25 =	sadd.s32 $0x8C0, s16  }
0xb9: {  	[tilespmem:s24], [sflag:s18] =	stream.indirect.gather [hbm4b:s3+s10], $0x40, s25, s10, $0xb8;
	v63 =	vld [tilespmem:$0x0]  }
0xba: {  	s19 =	sadd.s32 $0xE080, s15;
	s20 =	sadd.s32 $0x8F8, s16  }
0xbb: {  	[tilespmem:s19], [sflag:s18] =	stream.indirect.gather [hbm4b:s3+s10], $0x40, s20, s10, $0xb8;
	v63 =	vld [tilespmem:$0x0]  }
0xbc: {  	s21 =	sadd.s32 $0xED00, s15;
	s23 =	sadd.s32 $0x930, s16  }
0xbd: {  	[tilespmem:s21], [sflag:s18] =	stream.indirect.gather [hbm4b:s3+s10], $0x40, s23, s10, $0xb8;
	v63 =	vld [tilespmem:$0x0]  }
0xbe: {  	s24 =	sadd.s32 $0xF980, s15;
	s25 =	sadd.s32 $0x968, s16  }
0xbf: {  	[tilespmem:s24], [sflag:s18] =	stream.indirect.gather [hbm4b:s3+s10], $0x40, s25, s10, $0xb8;
	v63 =	vld [tilespmem:$0x0]  }
0xc0: {  	s19 =	sor.u32 $0x10600, s15;
	s20 =	sadd.s32 $0x9A0, s16  }
0xc1: {  	[tilespmem:s19], [sflag:s18] =	stream.indirect.gather [hbm4b:s3+s10], $0x40, s20, s10, $0xb8;
	v63 =	vld [tilespmem:$0x0]  }
0xc2: {  	s21 =	sadd.s32 $0x11280, s15;
	s23 =	sadd.s32 $0x9D8, s16  }
0xc3: {  	[tilespmem:s21], [sflag:s18] =	stream.indirect.gather [hbm4b:s3+s10], $0x40, s23, s10, $0xb8;
	v63 =	vld [tilespmem:$0x0]  }
0xc4: {  	s24 =	sadd.s32 $0x11F00, s15;
	s25 =	sadd.s32 $0xA10, s16  }
0xc5: {  	[tilespmem:s24], [sflag:s18] =	stream.indirect.gather [hbm4b:s3+s10], $0x40, s25, s10, $0xb8;
	v63 =	vld [tilespmem:$0x0]  }
0xc6: {  	s15 =	sadd.s32 $0x12B80, s15;
	s16 =	sadd.s32 $0xA48, s16  }
0xc7: {  	[tilespmem:s15], [sflag:s18] =	stream.indirect.gather [hbm4b:s3+s10], $0x40, s16, s10, $0xb8;
	v63 =	vld [tilespmem:$0x0]  }
0xc8: {  	_ =	swait.ge [sflag:s12], $0xC800  }
0xc9: {  	[sflag:s12] =	ssyncset.done $0x0  }
0xca: {  	[sflag:s12] =	ssyncadd.s32 $0xFFFF3800  }
0xcb: {  	[hbm4b:s5+s2] =	stream.linear.scatter [tilespmem:s11], [sflag:$0x3], $0xC800, $0x38;
	v63 =	vld [tilespmem:$0x0]  }
0xcc: {  	_ =	swait.ge [sflag:s9], $0xC800  }
0xcd: {  	[sflag:s9] =	ssyncset.done $0x0  }
0xce: {  	[sflag:s9] =	ssyncadd.s32 $0xFFFF3800  }
0xcf: {  	s14 =	sadd.s32 $0x1, s14;
	_ =	swait.ge [sflag:s13], $0xC800  }
0xd0: {  	p0 =	sne.s32 s14, s7;
	[sflag:s13] =	ssyncset.done $0x0  }
.Ltmp1:
0xd1: {  	[sflag:s13] =	ssyncadd.s32 $0xFFFF3800;
	(pc) =	sbr.rel @p0 .LBB2_1-.Ltmp1, $4  }
0xd2: {  	[hbm4b:s6+s2] =	stream.linear.scatter [tilespmem:s22], [sflag:$0x3], $0xC800, $0x38;
	v63 =	vld [tilespmem:$0x0]  }
0xd3: {  	_ =	swait.ge [sflag:s9], $0xC800  }
0xd4: {  	[sflag:s9] =	ssyncset.done $0x0  }
0xd5: {  	[sflag:s9] =	ssyncadd.s32 $0xFFFF3800  }
0xd6: {  	_ =	sfence.sel $0x180000  }
0xd7: {  	[bflag:$0x0] =	sbarrier.arrive $0xFFFF  }
0xd8: {  	_ =	strace $0x90000047  }
0xd9: {  	s0 =	stileid.u32;
	[bflag:$0x2] =	sbarrier.arrive $0xFFFF  }
0xda: {  	p0 =	sne.s32 s0, $0x0;
	s0 =	rddreg [dreg:$0x2]  }
0xdb: {  	s0 =	sadd.s32 @!p0 $0x100000, s0  }
0xdc: {  	[sflag:s0] =	ssyncadd.tile.s32 @!p0 $0x1;
	_ =	shalt  }
.Lfunc_end2:
_tile_overlayer_lowered:
.L_overlay_start_2:
0xdd: {  	(tag) =	ssettag $0x2  }
0xde: {  	s0 =	rddreg [dreg:$0x0];
	s2 =	stileid.u32  }
0xdf: {  	s1 =	rddreg [dreg:$0x1];
	p0 =	sne.s32 s2, $0x0  }
0xe0: {  	s3 =	rddreg [dreg:$0x2];
	[bflag:$0x3] =	sbarrier.arrive $0xFFFF;
	s2 =	simm.s32 @!p0 $0x1C03  }
0xe1: {  	[timem:s3], [sflag:s2] =	dma.local @!p0 [hbm:s0], s1  }
0xe2: {  	s0 =	simm.s32 @!p0 $0x3  }
0xe3: {  	_ =	swait.ge @!p0 [sflag:s0], s1  }
0xe4: {  	s1 =	ssub.s32 @!p0 $0x0, s1;
	[sflag:s0] =	ssyncset.done @!p0 $0x0  }
0xe5: {  	[sflag:s0] =	ssyncadd.s32 @!p0 s1  }
0xe6: {  	[bflag:$0x3] =	sbarrier.arrive $0xFFFF  }
0xe7: {  	_ =	shalt  }

// kernel: sparse-core-data-format-call.cloned.1.call-start
scs
called_computation_lowered:
.L_overlay_start_0:
0x0: {  	s2 =	sld [smem:$0x3FD9]  }
0x1: {  	s3 =	sld [smem:$0x3FFE];
	_ =	sdelay $0x1  }
0x2: {  	s1 =	srdreg.scid  }
0x3: {  	s0 =	sand.u32 $0x1, s1  }
0x4: {  	s18 =	sshll.u32 s0, $0xA;
	s2 =	sadd.s32 s3, s2  }
0x5: {  	s2 =	sadd.s32 s2, s18  }
0x6: {  	[smem:$0x3FC6] =	sst s2  }
0x7: {  	_ = 	snop  }
0x8: {  	s2 =	sld [smem:$0x3FD0];
	(tm) =	ssettm $0x1  }
0x9: {  	s19 =	sld [smem:$0x3FFB];
	_ =	sdelay $0x3  }
0xa: {  	_ =	strace s19  }
0xb: {  	s3 =	sld [smem:$0x3FFC];
	_ =	sdelay $0x3  }
0xc: {  	_ =	strace s3  }
0xd: {  	s3 =	sld [smem:$0x3FFD];
	_ =	sdelay $0x3  }
0xe: {  	_ =	strace s3  }
0xf: {  	_ =	strace $0x8FFFFFFF  }
0x10: {  	s20 =	sld [smem:$0x3FDB];
	_ =	sdelay $0x1  }
0x11: {  	s4 =	simm.s32 $_scs_section_size  }
0x12: {  	s5 =	simm.s32 $_size__tile_overlayer_lowered;
	s6 =	simm.s32 $_tile_overlayer_lowered  }
0x13: {  	s23 =	simm.s32 $0x1BFF;
	s22 =	sshll.u32 s6, $0x1;
	s3 =	sadd.s32 s4, s20  }
0x14: {  	s7 =	simm.s32 $0x0;
	s21 =	sshll.u32 s5, $0x1;
	s5 =	sadd.s32 s22, s3  }
0x15: {  	[timem:s7], [sflag:s23] =	dma.local [hbm:s5], s21  }
0x16: {  	_ =	swait.ge [sflag:s23], s21  }
0x17: {  	s4 =	ssub.s32 $0x0, s21;
	[sflag:s23] =	ssyncset.done $0x0  }
0x18: {  	[sflag:s23] =	ssyncadd.s32 s4;
	_ =	sdelay $0x1  }
0x19: {  	s24 =	simm.s32 $0x1B8B  }
0x1a: {  	_ =	swait.ge [sflag:s24], $0x1  }
0x1b: {  	[sflag:s24] =	ssyncset.done $0x0  }
0x1c: {  	s26 =	simm.s32 $0x1B8E;
	s25 =	sld [smem:$0x3FFE];
	[sflag:s24] =	ssyncadd.s32 $0xFFFFFFFF  }
0x1d: {  	s27 =	simm.s32 $execute0_lowered;
	[smem:$0x3FD2] =	sst s26  }
0x1e: {  	s5 =	sshll.u32 s27, $0x1;
	_ =	strace $0x80000049;
	[dreg:$0x1] =	wrdreg $0xFFFFFFFF  }
0x1f: {  	s28 =	simm.s32 $_size_execute0_lowered;
	s3 =	sadd.s32 s3, s5;
	[dreg:$0x0] =	wrdreg $0x0  }
0x20: {  	s5 =	sshll.u32 s28, $0x1;
	[dreg:$0x2] =	wrdreg s3  }
0x21: {  	[dreg:$0x3] =	wrdreg s5  }
0x22: {  	[dreg:$0x4] =	wrdreg $0xC0  }
0x23: {  	_ =	task [dreg:s7], $0x5FFFF  }
0x24: {  	[dreg:$0x1] =	wrdreg $0xFFFFFFFF  }
0x25: {  	[dreg:$0x0] =	wrdreg $0x60  }
0x26: {  	[dreg:$0x2] =	wrdreg s25  }
0x27: {  	[dreg:$0x3] =	wrdreg s2  }
0x28: {  	[dreg:$0x4] =	wrdreg $0x9  }
0x29: {  	_ =	task.clear_ibuf [dreg:s7], $0x5FFFF;
	_ =	strace $0x90000049  }
0x2a: {  	s29 =	simm.s32 $0x9;
	_ =	strace $0x8000004B  }
0x2b: {  	_ =	swait.ge [sflag:s29], $0x1  }
0x2c: {  	[sflag:s29] =	ssyncadd.s32 $0xFFFFFFFF  }
0x2d: {  	_ =	strace $0x9000004B  }
0x2e: {  	_ =	sfence  }
0x2f: {  	s30 =	sld [smem:$0x0];
	_ =	sdelay $0x2  }
0x30: {  	s31 =	sshll.u32 s1, $0xD;
	s1 =	sshrl.u32 s1, $0x2  }
0x31: {  	s3 =	sand.u32 $0x4000, s31;
	s1 =	sadd.s32 s1, s30  }
0x32: {  	s0 =	sor.u32 s3, s0;
	s1 =	sshll.u32 s1, $0x11  }
0x33: {  	s0 =	sor.u32 s1, s0  }
0x34: {  	s0 =	sadd.s32 $0x8F2B, s0  }
0x35: {  	[sflag:s0] =	ssyncadd.remote.s32 $0x1  }
0x36: {  	_ =	sfence.sel $0xFFFF  }
0x37: {  	[dreg:$0x0] =	wrdreg $0xFFFFFFFF;
	(pc) =	sbr.abs _section_cstart, $3  }
0x38: {  	[dreg:$0x1] =	wrdreg $0xFFFFFFFF  }
0x39: {  	_ =	task.clear_ibuf [dreg:s7], $0x2FFFF;
	_ =	strace $0x9FFFFFFF  }
0x3a: {  	(tm) =	ssettm $0x7FFFFFFF  }
0x3b: {  	_ =	shalt  }
tec
execute0_lowered:
.L_overlay_start_1:
0x0: {  	(tag) =	ssettag $0x1  }
0x1: {  	s0 =	srdreg.scid  }
0x2: {  	s1 =	sshll.u32 s0, $0x4  }
0x3: {  	s0 =	stileid.u32;
	s1 =	sand.u32 $0x10, s1  }
0x4: {  	s1 =	sor.u32 s0, s1  }
0x5: {  	s6 =	rddreg [dreg:$0x0];
	s4 =	simm.s32 $0x1;
	s2 =	sshll.u32 s1, $0x7  }
0x6: {  	s7 =	simm.s32 $0x2;
	s12 =	simm.s32 $0x0;
	s1 =	ssub.s32 $0x4000, s2  }
0x7: {  	s8 =	simm.s32 $0x20000;
	s13 =	simm.s32 $0x0;
	s3 =	sand.u32 $0xF80, s1  }
0x8: {  	s9 =	simm.s32 $0x0;
	s5 =	sshrl.u32 s1, $0xC;
	p0 =	sne.s32 s3, $0x0  }
.Ltmp0:
0x9: {  	s1 =	rddreg [dreg:$0x2];
	s4 =	simm.s32 @!p0 $0x0;
	(pc) =	sbr.rel .LBB1_1-.Ltmp0, $4  }
0xa: {  	s11 =	simm.s32 $0x0;
	s3 =	rddreg [dreg:$0x1];
	s5 =	sadd.s32 s4, s5  }
0xb: {  	_ =	strace $0x8000004A;
	s4 =	simm.s32 $0x1;
	s5 =	smul.u32 $0x32, s5  }
0xc: {  	s6 =	sadd.s32 $0xA00, s6;
	s10 =	smov.u32 s2;
	[sflag:s4] =	ssyncpa.u1 $0x0  }
0xd: {  	p0 =	por $0x0, $0x0;
	[sflag:s7] =	ssyncpa.u1 $0x0;
	s7 =	sor.u32 $0x1, s5  }
.LBB1_4:
0xe: {  	s16 =	sshll.u32 s13, $0x3;
	s17 =	sand.u32 $0x78, s13  }
0xf: {  	s30 =	sand.u32 $0x1F800, s13;
	s12 =	sshll.u32 s12, $0x11;
	s16 =	sand.u32 $0x3C00, s16  }
0x10: {  	[tilespmem:s15+$0x810 ss:$0x81] =	vst.msk $0xffff, v2;
	s31 =	sand.u32 $0x7, s13;
	s16 =	sor.u32 s17, s16;
	s17 =	sadd.s32 s3, s30  }
0x11: {  	[tilespmem:s15+$0x1020 ss:$0x81] =	vst.msk $0xffff, v0;
	s13 =	sshll.u32 s31, $0x12;
	s12 =	sadd.s32 s12, s17;
	s16 =	sshrl.u32 s16, $0x3  }
0x12: {  	[tilespmem:s15+$0x0 ss:$0x81] =	vst.msk $0xffff, v1;
	s13 =	sor.u32 $0x400, s13;
	s12 =	sadd.s32 s16, s12  }
0x13: {  	[hbm4b:s12+s13] =	stream.strided.scatter [tilespmem:s14], [sflag:$0x2], $0x2000, s8, s13, $0x20;
	[tilespmem:$0x8080] =	vst v63  }
.LBB1_5:
0x14: {  	s14 =	sadd.s32 $0x1, s9  }
0x15: {  	s12 =	sadd.s32 $0x1000, s10;
	s16 =	smov.u32 s10;
	p2 =	sgt.s32 s14, $0x31  }
0x16: {  	s16 =	smov.u32 @p2 s12  }
0x17: {  	s14 =	simm.s32 @p2 $0x0;
	p2 =	sgt.s32 s16, $0x3FFF  }
0x18: {  	s16 =	smov.u32 @p2 s2;
	p2 =	sne.s32 s11, s7  }
.Ltmp1:
0x19: {  	p1 =	slt.u32 s11, $0x2;
	(pc) =	sbr.rel @!p2 .LBB1_6-.Ltmp1, $4  }
0x1a: {  	s15 =	simm.s32 @!p1 $0x2  }
0x1b: {  	s13 =	smov.u32 s10;
	p0 =	por !p0, !p0;
	_ =	swait.ge @!p1 [sflag:s15], $0x2000  }
0x1c: {  	s12 =	smov.u32 s9;
	[sflag:s15] =	ssyncset.done @!p1 $0x0;
	s9 =	smov.u32 s14  }
0x1d: {  	s11 =	sadd.s32 $0x1, s11;
	[sflag:s15] =	ssyncadd.s32 @!p1 $0xFFFFE000;
	s10 =	smov.u32 s16  }
.LBB1_1:
0x1e: {  	p1 =	sge.u32 s11, s5  }
0x1f: {  	s14 =	sand.u32 @!p1 $0x1FFFFFF, s9  }
0x20: {  	s15 =	smulhi.u32 @!p1 $0x4924925, s14;
	_ =	sdelay $0x1  }
0x21: {  	s15 =	smul.u32 @!p1 $0x38, s15  }
0x22: {  	s16 =	sxor.u32 @!p1 $0xFFFFFFFF, s11;
	s17 =	smul.u32 @!p1 $0x380, s10  }
0x23: {  	s31 =	sadd.s32 $0xFFFFFFFF, s11;
	s16 =	sshll.u32 @!p1 s16, $0xD;
	s14 =	ssub.s32 @!p1 s14, s15  }
0x24: {  	s15 =	sand.u32 @!p1 $0x2000, s16;
	s16 =	sadd.s32 @!p1 s6, s17;
	s14 =	sshll.u32 @!p1 s14, $0x4  }
0x25: {  	s17 =	simm.s32 @!p1 $0x1C00;
	s14 =	sadd.s32 @!p1 s14, s16;
	s16 =	simm.s32 @!p1 $0x40  }
0x26: {  	[tilespmem:s15], [sflag:$0x1] =	stream.strided.gather @!p1 [hbm4b:s14+s16], $0x2000, s17, s16, $0x38;
	[tilespmem:$0x8080] =	vst v63  }
0x27: {  	p1 =	sge.u32 s31, s5  }
.Ltmp2:
0x28: {  	_ = 	snop;
	(pc) =	sbr.rel @p1 .LBB1_5-.Ltmp2, $1  }
0x29: {  	_ =	sdelay $0x3  }
0x2a: {  	s14 =	simm.s32 $0x1  }
0x2b: {  	_ =	swait.ge [sflag:s4], $0x2000;
	s14 =	simm.s32 @!p0 $0x0  }
0x2c: {  	[sflag:s4] =	ssyncset.done $0x0;
	s15 =	sshll.u32 s14, $0xD  }
0x2d: {  	[sflag:s4] =	ssyncadd.s32 $0xFFFFE000;
	s18 =	sor.u32 $0x20, s15  }
0x2e: {  	s14 =	smul.u32 $0x8100, s14;
	v3 =	vld [tilespmem:s18+$0x10]  }
0x2f: {  	s30 =	sand.u32 $0x1, s11;
	v2 =	vld [tilespmem:s18+$0xFFFFFFF0]  }
0x30: {  	s15 =	smul.u32 $0x8100, s30;
	s14 =	sshrl.u32 s14, $0x2;
	v0 =	vld [tilespmem:s18+$0x0]  }
0x31: {  	v1 =	vld [tilespmem:s18+$0xFFFFFFE0];
	s16 =	sor.u32 $0x4000, s14  }
0x32: {  	s31 =	sshrl.u32 s15, $0x2;
	s15 =	sadd.s32 $0x0, s16  }
0x33: {  	s17 =	simm.s32 $0x4;
	s18 =	sadd.s32 $0x40, s18;
	s14 =	sor.u32 $0x4000, s31;
	[tilespmem:s15+$0x1830 ss:$0x81] =	vst.msk $0xffff, v3  }
.LBB1_3:
0x34: {  	v3 =	vld [tilespmem:s18+$0x10];
	p1 =	sne.s32 s17, $0x1FC;
	[tilespmem:s15+$0x810 ss:$0x81] =	vst.msk $0xffff, v2;
	s19 =	smov.u32 s17;
	s17 =	sadd.s32 $0x4, s17  }
.Ltmp3:
0x35: {  	v2 =	vld [tilespmem:s18+$0xFFFFFFF0];
	[tilespmem:s15+$0x1020 ss:$0x81] =	vst.msk $0xffff, v0;
	(pc) =	sbr.rel @p1 .LBB1_3-.Ltmp3, $4  }
0x36: {  	v0 =	vld [tilespmem:s18+$0x0];
	[tilespmem:s15+$0x0 ss:$0x81] =	vst.msk $0xffff, v1  }
0x37: {  	s15 =	sshra.s32 s19, $0x2;
	v1 =	vld [tilespmem:s18+$0xFFFFFFE0]  }
0x38: {  	s15 =	sadd.s32 s15, s16  }
0x39: {  	s18 =	sadd.s32 $0x40, s18;
	[tilespmem:s15+$0x1830 ss:$0x81] =	vst.msk $0xffff, v3  }
.Ltmp4:
0x3a: {  	_ = 	snop;
	(pc) =	sbr.rel .LBB1_4-.Ltmp4, $1  }
0x3b: {  	_ =	sdelay $0x3  }
.LBB1_6:
0x3c: {  	_ =	sfence.sel $0x180000  }
0x3d: {  	s2 =	simm.s32 $0x1;
	[bflag:$0x0] =	sbarrier.arrive $0xFFFF  }
0x3e: {  	s31 =	simm.s32 $0x2;
	[sflag:s2] =	ssyncpa.u1 $0x1  }
0x3f: {  	[sflag:s31] =	ssyncpa.u1 $0x1  }
0x40: {  	p0 =	sne.s32 s0, $0x0;
	_ =	strace $0x9000004A  }
0x41: {  	s0 =	sadd.s32 @!p0 $0x100000, s1;
	[bflag:$0x2] =	sbarrier.arrive $0xFFFF  }
0x42: {  	[sflag:s0] =	ssyncadd.tile.s32 @!p0 $0x1;
	_ =	shalt  }
.Lfunc_end1:
_tile_overlayer_lowered:
.L_overlay_start_2:
0x43: {  	(tag) =	ssettag $0x2  }
0x44: {  	s0 =	rddreg [dreg:$0x0];
	s2 =	stileid.u32  }
0x45: {  	s1 =	rddreg [dreg:$0x1];
	p0 =	sne.s32 s2, $0x0  }
0x46: {  	s3 =	rddreg [dreg:$0x2];
	[bflag:$0x3] =	sbarrier.arrive $0xFFFF;
	s2 =	simm.s32 @!p0 $0x1C01  }
0x47: {  	[timem:s3], [sflag:s2] =	dma.local @!p0 [hbm:s0], s1  }
0x48: {  	s0 =	simm.s32 @!p0 $0x1  }
0x49: {  	_ =	swait.ge @!p0 [sflag:s0], s1  }
0x4a: {  	s1 =	ssub.s32 @!p0 $0x0, s1;
	[sflag:s0] =	ssyncset.done @!p0 $0x0  }
0x4b: {  	[sflag:s0] =	ssyncadd.s32 @!p0 s1  }
0x4c: {  	[bflag:$0x3] =	sbarrier.arrive $0xFFFF  }
0x4d: {  	_ =	shalt  }

</sc_bundles>
